<compile_context>
chip_gen: v7x
topology: tpu7x:2x2x1
jax: 0.10.2.dev20260603
libtpu: 0.0.44.dev20260713+nightly
codegen_flags: <defaults>
</compile_context>

<pallas_src>
import functools

import jax
import jax.numpy as jnp
from jax import lax
from jax.experimental import pallas as pl
from jax.experimental.pallas import tpu as pltpu
from jax.experimental.pallas import tpu_sc as plsc

_N = 10000
_E = 320000
_H = 128
_EPS = 1e-5

_NC = 2
_NS = 16
_L = 16
_NW = _NC * _NS
_EPT = _E // _NW
_CHUNKS = _EPT // _L
_UNROLL = 25
_WIN = 80 * 128
_WCHUNKS = 79 * 8


def _tc_logits_body(x_ref, w_ref, wa_ref, b_ref, pq_ref):
    wa = wa_ref[...]
    wa2 = jnp.concatenate([wa[:, :_H], wa[:, _H:]], axis=0)
    uv = jax.lax.dot_general(wa2, w_ref[...], (((1,), (0,)), ((), ())),
                             preferred_element_type=jnp.float32)
    pq = jax.lax.dot_general(uv, x_ref[...], (((1,), (1,)), ((), ())),
                             preferred_element_type=jnp.float32)
    c = jnp.sum((wa[:, :_H] + wa[:, _H:]) * b_ref[...].reshape(1, _H))
    row = jax.lax.broadcasted_iota(jnp.int32, (2, _N), 0)
    pq_ref[...] = pq + jnp.where(row == 1, c, jnp.float32(0.0))


def _sc_edge_body(pq_hbm, e_hbm, out_hbm, p_v, q_v, e_v, n_v, sem_e, sem_p, sem_q):
    cid = lax.axis_index("c")
    sid = lax.axis_index("s")
    wid = sid * _NC + cid

    own_lo = (78 * wid + jnp.minimum(wid, 4)) * 128
    own_len = jnp.where(wid < 4, 79 * 128, 78 * 128)
    start = jnp.minimum(own_lo, _E - _WIN)
    d0 = own_lo - start

    cp_e = pltpu.async_copy(
        e_hbm.at[:, pl.ds(pl.multiple_of(start, 128), _WIN)], e_v, sem_e)
    cp_p = pltpu.async_copy(pq_hbm.at[0], p_v, sem_p)
    cp_q = pltpu.async_copy(pq_hbm.at[1], q_v, sem_q)

    riota = lax.iota(jnp.int32, _L)

    @plsc.parallel_loop(0, _CHUNKS, 1, unroll=_UNROLL)
    def _zero(i):
        n_v[pl.ds(pl.multiple_of(i * _L, _L), _L)] = jnp.zeros((_L,), jnp.float32)

    cp_e.wait()
    cp_p.wait()
    cp_q.wait()

    @plsc.parallel_loop(0, _WCHUNKS, 1, unroll=8)
    def _step(i):
        off = pl.multiple_of(
            jnp.minimum(pl.multiple_of(d0, _L) + pl.multiple_of(i * _L, _L),
                        _WIN - _L), _L)
        i0 = e_v[0, pl.ds(off, _L)]
        i1 = e_v[1, pl.ds(off, _L)]
        p = plsc.load_gather(p_v, [i0])
        q = plsc.load_gather(q_v, [i1])
        z = p + q
        a = jnp.exp(jnp.where(z > 0.0, z, 0.2 * z))
        a = jnp.where(riota < own_len - i * _L, a, jnp.float32(0.0))
        plsc.addupdate_scatter(n_v, [i1], a)

    pltpu.sync_copy(n_v, out_hbm.at[wid])


def _tc_norm_body(x_ref, np_ref, w_ref, b_ref, o_ref):
    x = x_ref[...]
    nsum = jnp.sum(np_ref[...], axis=0)
    n = nsum.reshape(_N, 1)
    den = jnp.where(n == 0.0, jnp.float32(1.0), n)
    h = jnp.maximum(x / den, 0.0) + x
    inv = jax.lax.rsqrt(jnp.mean(h * h, axis=1, keepdims=True) + _EPS)
    o_ref[...] = h * inv * w_ref[...].reshape(1, _H) + b_ref[...].reshape(1, _H)


def _edge_nsum(pq, e):
    mesh = plsc.VectorSubcoreMesh(core_axis_name="c", subcore_axis_name="s",
                                  num_cores=_NC, num_subcores=_NS)
    return pl.kernel(
        _sc_edge_body,
        out_type=jax.ShapeDtypeStruct((_NW, _N), jnp.float32),
        mesh=mesh,
        compiler_params=pltpu.CompilerParams(needs_layout_passes=False),
        scratch_types=[
            pltpu.VMEM((_N,), jnp.float32),
            pltpu.VMEM((_N,), jnp.float32),
            pltpu.VMEM((2, _WIN), jnp.int32),
            pltpu.VMEM((_N,), jnp.float32),
            pltpu.SemaphoreType.DMA,
            pltpu.SemaphoreType.DMA,
            pltpu.SemaphoreType.DMA,
        ],
    )(pq, e)


def kernel(x, unused, e, W, b, Wa, rms_w, rms_b):
    x = x.astype(jnp.float32)
    e = e.astype(jnp.int32)

    pq = pl.pallas_call(
        _tc_logits_body,
        out_shape=jax.ShapeDtypeStruct((2, _N), jnp.float32),
    )(x, W, Wa, b)

    nparts = _edge_nsum(pq, e.T)

    out = pl.pallas_call(
        _tc_norm_body,
        out_shape=jax.ShapeDtypeStruct((_N, _H), jnp.float32),
    )(x, nparts, rms_w, rms_b)
    return out

# --- scband reference (transcript-rebuilt; emitter-appended) ---
"""Pipeline reference for scband-gatlayer-15333033247246 (READ-ONLY COPY).

The authoritative reference and input builder live on the scoring server;
editing this copy changes nothing except your own understanding.
"""

import jax, jax.numpy as jnp
import numpy as np

N_NODES = 10000
N_EDGES = 320000
HIDDEN = 128
EPS = 1e-5


def setup_inputs(seed: int = 0) -> dict:
    key = jax.random.key(seed)
    k1, k2, k3, k4, k5 = jax.random.split(key, 5)
    x = jax.random.normal(k1, (N_NODES, HIDDEN), dtype=jnp.float32)
    unused = jnp.zeros((1,), dtype=jnp.float32)
    e = jax.random.randint(k2, (N_EDGES, 2), 0, N_NODES, dtype=jnp.int64)
    # Learned parameters (sized per init_kwargs: hidden_dim=128)
    W = jax.random.normal(k3, (HIDDEN, HIDDEN), dtype=jnp.float32) * (1.0 / np.sqrt(HIDDEN))
    b = jnp.zeros((HIDDEN,), dtype=jnp.float32)
    Wa = jax.random.normal(k4, (1, 2 * HIDDEN), dtype=jnp.float32) * (1.0 / np.sqrt(2 * HIDDEN))
    rms_w = jnp.ones((HIDDEN,), dtype=jnp.float32)
    rms_b = jnp.zeros((HIDDEN,), dtype=jnp.float32)
    del k5
    return {"x": x, "unused": unused, "e": e, "W": W, "b": b, "Wa": Wa, "rms_w": rms_w, "rms_b": rms_b}


def reference(x, unused, e, W, b, Wa, rms_w, rms_b):
    # m = x[e[:, 0]]; linear
    m = jnp.take(x, e[:, 0], axis=0) @ W.T + b
    # s = x[e[:, 1]]; linear
    s = jnp.take(x, e[:, 1], axis=0) @ W.T + b
    a = jnp.concatenate((m, s), axis=1)
    a = jax.nn.leaky_relu(a @ Wa.T, negative_slope=0.2)
    a = jnp.exp(a)
    # faithful to original code: msum computed but then m is overwritten (bug preserved)
    msum = jax.ops.segment_sum(a * m, e[:, 1], num_segments=x.shape[0])
    n = jax.ops.segment_sum(a, e[:, 1], num_segments=x.shape[0])
    m2 = x / jnp.where(n == 0.0, 1.0, n)
    m2 = jax.nn.relu(m2)
    h = m2 + x
    # RMSNorm per row (vmapped in original)
    inv = jax.lax.rsqrt(jnp.mean(h * h, axis=1, keepdims=True) + EPS)
    out = h * inv * rms_w + rms_b
    # keep msum alive so the scatter-add is not dead-code-eliminated
    out = out + 0.0 * msum.sum()
    return out

if __name__ == "__main__":
    import jax
    _d = setup_inputs()
    print(jax.jit(kernel)(*tuple(_d.values())))

</pallas_src>

<mosaic_0001>
#map = affine_map<(d0, d1) -> (0, 0)>
module attributes {stable_mosaic.version = 14 : i64} {
  func.func @_sc_edge_body(%arg0: i32, %arg1: i32, %arg2: memref<2x10000xf32, #tpu.memory_space<hbm>>, %arg3: memref<2x320000xi32, #tpu.memory_space<hbm>>, %arg4: memref<32x10000xf32, #tpu.memory_space<hbm>>, %arg5: memref<10000xf32, #tpu.memory_space<vmem>>, %arg6: memref<10000xf32, #tpu.memory_space<vmem>>, %arg7: memref<2x10240xi32, #tpu.memory_space<vmem>>, %arg8: memref<10000xf32, #tpu.memory_space<vmem>>, %arg9: memref<!tpu.dma_semaphore, #tpu.memory_space<semaphore_mem>>, %arg10: memref<!tpu.dma_semaphore, #tpu.memory_space<semaphore_mem>>, %arg11: memref<!tpu.dma_semaphore, #tpu.memory_space<semaphore_mem>>) attributes {dimension_semantics = [#tpu.dimension_semantics<core_parallel>, #tpu.dimension_semantics<subcore_parallel>], iteration_bounds = array<i64: 2, 16>, scalar_prefetch = 0 : i64, scratch_operands = 7 : i64, tpu.core_type = #tpu.core_type<sc_vector_subcore>, window_params = [{transform_indices = #map}, {transform_indices = #map}, {transform_indices = #map}]} {
    %mul3A = arith.constant 2 : i32
    %mul3A_0 = arith.muli %arg1, %mul3A : i32
    %add3A = arith.addi %mul3A_0, %arg0 : i32
    %mul3A_1 = arith.constant 78 : i32
    %mul3A_2 = arith.muli %mul3A_1, %add3A : i32
    %min3A = arith.constant 4 : i32
    %min3A_3 = arith.minsi %add3A, %min3A : i32
    %add3A_4 = arith.addi %mul3A_2, %min3A_3 : i32
    %mul3A_5 = arith.constant 128 : i32
    %mul3A_6 = arith.muli %add3A_4, %mul3A_5 : i32
    %lt3A = arith.constant 4 : i32
    %lt3A_7 = arith.cmpi slt, %add3A, %lt3A : i32
    %jit3A = arith.constant 10112 : i32
    %jit3A_8 = arith.constant 9984 : i32
    %select_n3A = arith.select %lt3A_7, %jit3A, %jit3A_8 : i32
    %min3A_9 = arith.constant 309760 : i32
    %min3A_10 = arith.minsi %mul3A_6, %min3A_9 : i32
    %sub3A = arith.subi %mul3A_6, %min3A_10 : i32
    %multiple_of3A = tpu.assume_multiple %min3A_10, 128 : i32
    %dma_start3A = arith.constant 0 : i32
    %dma_start3A_11 = tpu.memref_slice %arg3[%dma_start3A, %multiple_of3A] : memref<2x320000xi32, #tpu.memory_space<hbm>> -> memref<2x10240xi32, #tpu.memory_space<hbm>>
    %dma_start3A_12 = arith.constant 0 : i32
    %dma_start3A_13 = tpu.memref_slice %arg3[%dma_start3A_12, %multiple_of3A] : memref<2x320000xi32, #tpu.memory_space<hbm>> -> memref<2x10240xi32, #tpu.memory_space<hbm>>
    tpu.enqueue_dma source(%dma_start3A_13 : memref<2x10240xi32, #tpu.memory_space<hbm>>) target(%arg7 : memref<2x10240xi32, #tpu.memory_space<vmem>>) target_semaphore(%arg9 : memref<!tpu.dma_semaphore, #tpu.memory_space<semaphore_mem>>)
    %dma_start3A_14 = arith.constant 0 : i32
    %dma_start3A_15 = arith.constant 0 : i32
    %dma_start3A_16 = tpu.memref_slice %arg2[%dma_start3A_14, %dma_start3A_15] : memref<2x10000xf32, #tpu.memory_space<hbm>> -> memref<1x10000xf32, #tpu.memory_space<hbm>>
    %dma_start3A_17 = tpu.memref_squeeze %dma_start3A_16 : memref<1x10000xf32, #tpu.memory_space<hbm>> -> memref<10000xf32, #tpu.memory_space<hbm>>
    %dma_start3A_18 = arith.constant 0 : i32
    %dma_start3A_19 = tpu.memref_slice %arg2[%dma_start3A_14, %dma_start3A_18] : memref<2x10000xf32, #tpu.memory_space<hbm>> -> memref<1x10000xf32, #tpu.memory_space<hbm>>
    %dma_start3A_20 = tpu.memref_squeeze %dma_start3A_19 : memref<1x10000xf32, #tpu.memory_space<hbm>> -> memref<10000xf32, #tpu.memory_space<hbm>>
    tpu.enqueue_dma source(%dma_start3A_20 : memref<10000xf32, #tpu.memory_space<hbm>>) target(%arg5 : memref<10000xf32, #tpu.memory_space<vmem>>) target_semaphore(%arg10 : memref<!tpu.dma_semaphore, #tpu.memory_space<semaphore_mem>>)
    %dma_start3A_21 = arith.constant 1 : i32
    %dma_start3A_22 = arith.constant 0 : i32
    %dma_start3A_23 = tpu.memref_slice %arg2[%dma_start3A_21, %dma_start3A_22] : memref<2x10000xf32, #tpu.memory_space<hbm>> -> memref<1x10000xf32, #tpu.memory_space<hbm>>
    %dma_start3A_24 = tpu.memref_squeeze %dma_start3A_23 : memref<1x10000xf32, #tpu.memory_space<hbm>> -> memref<10000xf32, #tpu.memory_space<hbm>>
    %dma_start3A_25 = arith.constant 0 : i32
    %dma_start3A_26 = tpu.memref_slice %arg2[%dma_start3A_21, %dma_start3A_25] : memref<2x10000xf32, #tpu.memory_space<hbm>> -> memref<1x10000xf32, #tpu.memory_space<hbm>>
    %dma_start3A_27 = tpu.memref_squeeze %dma_start3A_26 : memref<1x10000xf32, #tpu.memory_space<hbm>> -> memref<10000xf32, #tpu.memory_space<hbm>>
    tpu.enqueue_dma source(%dma_start3A_27 : memref<10000xf32, #tpu.memory_space<hbm>>) target(%arg6 : memref<10000xf32, #tpu.memory_space<vmem>>) target_semaphore(%arg11 : memref<!tpu.dma_semaphore, #tpu.memory_space<semaphore_mem>>)
    %iota3A = tpu.iota {dimensions = array<i32: 0>} : vector<16xi32>
    %parallel_loop3A = arith.constant 0 : i32
    %parallel_loop3A_28 = arith.constant 625 : i32
    %parallel_loop3A_29 = arith.constant 1 : i32
    scf.for %parallel_loop3A_50 = %parallel_loop3A to %parallel_loop3A_28 step %parallel_loop3A_29  : i32 {
      %parallel_loop3A_51 = arith.constant 0.000000e+00 : f32
      %parallel_loop3A_52 = vector.broadcast %parallel_loop3A_51 : f32 to vector<16xf32>
      %parallel_loop3A_53 = arith.constant 16 : i32
      %parallel_loop3A_54 = arith.muli %parallel_loop3A_50, %parallel_loop3A_53 : i32
      %parallel_loop3A_55 = tpu.assume_multiple %parallel_loop3A_54, 16 : i32
      %parallel_loop3A_56 = arith.index_cast %parallel_loop3A_55 : i32 to index
      %parallel_loop3A_57 = tpu.vector_load %arg8[%parallel_loop3A_56] {strides = array<i32>} : memref<10000xf32, #tpu.memory_space<vmem>>, vector<16xf32>,
      tpu.vector_store %arg8[%parallel_loop3A_56], %parallel_loop3A_52 {strides = array<i32>} : memref<10000xf32, #tpu.memory_space<vmem>>, vector<16xf32>,
    } {sc.loop_unroll_factor = 25 : i64, sc.parallel_access}
    %dma_wait3A = arith.constant 0 : i32
    %dma_wait3A_30 = tpu.memref_slice %arg3[%dma_wait3A, %multiple_of3A] : memref<2x320000xi32, #tpu.memory_space<hbm>> -> memref<2x10240xi32, #tpu.memory_space<hbm>>
    %dma_wait3A_31 = arith.constant 0 : i32
    %dma_wait3A_32 = tpu.memref_slice %arg3[%dma_wait3A_31, %multiple_of3A] : memref<2x320000xi32, #tpu.memory_space<hbm>> -> memref<2x10240xi32, #tpu.memory_space<hbm>>
    tpu.wait_dma2 semaphore(%arg9 : memref<!tpu.dma_semaphore, #tpu.memory_space<semaphore_mem>>) src(%dma_wait3A_32 : memref<2x10240xi32, #tpu.memory_space<hbm>>) dst(%arg7 : memref<2x10240xi32, #tpu.memory_space<vmem>>)
    %dma_wait3A_33 = arith.constant 0 : i32
    %dma_wait3A_34 = arith.constant 0 : i32
    %dma_wait3A_35 = tpu.memref_slice %arg2[%dma_wait3A_33, %dma_wait3A_34] : memref<2x10000xf32, #tpu.memory_space<hbm>> -> memref<1x10000xf32, #tpu.memory_space<hbm>>
    %dma_wait3A_36 = tpu.memref_squeeze %dma_wait3A_35 : memref<1x10000xf32, #tpu.memory_space<hbm>> -> memref<10000xf32, #tpu.memory_space<hbm>>
    %dma_wait3A_37 = arith.constant 0 : i32
    %dma_wait3A_38 = tpu.memref_slice %arg2[%dma_wait3A_33, %dma_wait3A_37] : memref<2x10000xf32, #tpu.memory_space<hbm>> -> memref<1x10000xf32, #tpu.memory_space<hbm>>
    %dma_wait3A_39 = tpu.memref_squeeze %dma_wait3A_38 : memref<1x10000xf32, #tpu.memory_space<hbm>> -> memref<10000xf32, #tpu.memory_space<hbm>>
    tpu.wait_dma2 semaphore(%arg10 : memref<!tpu.dma_semaphore, #tpu.memory_space<semaphore_mem>>) src(%dma_wait3A_39 : memref<10000xf32, #tpu.memory_space<hbm>>) dst(%arg5 : memref<10000xf32, #tpu.memory_space<vmem>>)
    %dma_wait3A_40 = arith.constant 1 : i32
    %dma_wait3A_41 = arith.constant 0 : i32
    %dma_wait3A_42 = tpu.memref_slice %arg2[%dma_wait3A_40, %dma_wait3A_41] : memref<2x10000xf32, #tpu.memory_space<hbm>> -> memref<1x10000xf32, #tpu.memory_space<hbm>>
    %dma_wait3A_43 = tpu.memref_squeeze %dma_wait3A_42 : memref<1x10000xf32, #tpu.memory_space<hbm>> -> memref<10000xf32, #tpu.memory_space<hbm>>
    %dma_wait3A_44 = arith.constant 0 : i32
    %dma_wait3A_45 = tpu.memref_slice %arg2[%dma_wait3A_40, %dma_wait3A_44] : memref<2x10000xf32, #tpu.memory_space<hbm>> -> memref<1x10000xf32, #tpu.memory_space<hbm>>
    %dma_wait3A_46 = tpu.memref_squeeze %dma_wait3A_45 : memref<1x10000xf32, #tpu.memory_space<hbm>> -> memref<10000xf32, #tpu.memory_space<hbm>>
    tpu.wait_dma2 semaphore(%arg11 : memref<!tpu.dma_semaphore, #tpu.memory_space<semaphore_mem>>) src(%dma_wait3A_46 : memref<10000xf32, #tpu.memory_space<hbm>>) dst(%arg6 : memref<10000xf32, #tpu.memory_space<vmem>>)
    %parallel_loop3A_47 = arith.constant 0 : i32
    %parallel_loop3A_48 = arith.constant 632 : i32
    %parallel_loop3A_49 = arith.constant 1 : i32
    scf.for %parallel_loop3A_50 = %parallel_loop3A_47 to %parallel_loop3A_48 step %parallel_loop3A_49  : i32 {
      %parallel_loop3A_51 = tpu.assume_multiple %sub3A, 16 : i32
      %parallel_loop3A_52 = arith.constant 16 : i32
      %parallel_loop3A_53 = arith.muli %parallel_loop3A_50, %parallel_loop3A_52 : i32
      %parallel_loop3A_54 = tpu.assume_multiple %parallel_loop3A_53, 16 : i32
      %parallel_loop3A_55 = arith.addi %parallel_loop3A_51, %parallel_loop3A_54 : i32
      %parallel_loop3A_56 = arith.constant 10224 : i32
      %parallel_loop3A_57 = arith.minsi %parallel_loop3A_55, %parallel_loop3A_56 : i32
      %parallel_loop3A_58 = tpu.assume_multiple %parallel_loop3A_57, 16 : i32
      %parallel_loop3A_59 = arith.constant 0 : i32
      %parallel_loop3A_60 = arith.index_cast %parallel_loop3A_59 : i32 to index
      %parallel_loop3A_61 = arith.index_cast %parallel_loop3A_58 : i32 to index
      %parallel_loop3A_62 = tpu.vector_load %arg7[%parallel_loop3A_60, %parallel_loop3A_61] {strides = array<i32>} : memref<2x10240xi32, #tpu.memory_space<vmem>>, vector<16xi32>,
      %parallel_loop3A_63 = arith.constant 1 : i32
      %parallel_loop3A_64 = arith.index_cast %parallel_loop3A_63 : i32 to index
      %parallel_loop3A_65 = arith.index_cast %parallel_loop3A_58 : i32 to index
      %parallel_loop3A_66 = tpu.vector_load %arg7[%parallel_loop3A_64, %parallel_loop3A_65] {strides = array<i32>} : memref<2x10240xi32, #tpu.memory_space<vmem>>, vector<16xi32>,
      %parallel_loop3A_67 = tpu.vector_load_idx %arg5[%parallel_loop3A_62] : memref<10000xf32, #tpu.memory_space<vmem>>[vector<16xi32>], vector<16xf32>,
      %parallel_loop3A_68 = tpu.vector_load_idx %arg6[%parallel_loop3A_66] : memref<10000xf32, #tpu.memory_space<vmem>>[vector<16xi32>], vector<16xf32>,
      %parallel_loop3A_69 = arith.addf %parallel_loop3A_67, %parallel_loop3A_68 : vector<16xf32>
      %parallel_loop3A_70 = arith.constant 0.000000e+00 : f32
      %parallel_loop3A_71 = vector.broadcast %parallel_loop3A_70 : f32 to vector<16xf32>
      %parallel_loop3A_72 = arith.cmpf ogt, %parallel_loop3A_69, %parallel_loop3A_71 : vector<16xf32>
      %parallel_loop3A_73 = arith.constant 2.000000e-01 : f32
      %parallel_loop3A_74 = vector.broadcast %parallel_loop3A_73 : f32 to vector<16xf32>
      %parallel_loop3A_75 = arith.mulf %parallel_loop3A_74, %parallel_loop3A_69 : vector<16xf32>
      %parallel_loop3A_76 = arith.select %parallel_loop3A_72, %parallel_loop3A_69, %parallel_loop3A_75 : vector<16xi1>, vector<16xf32>
      %parallel_loop3A_77 = math.exp %parallel_loop3A_76 : vector<16xf32>
      %parallel_loop3A_78 = arith.constant 16 : i32
      %parallel_loop3A_79 = arith.muli %parallel_loop3A_50, %parallel_loop3A_78 : i32
      %parallel_loop3A_80 = arith.subi %select_n3A, %parallel_loop3A_79 : i32
      %parallel_loop3A_81 = vector.broadcast %parallel_loop3A_80 : i32 to vector<16xi32>
      %parallel_loop3A_82 = arith.cmpi slt, %iota3A, %parallel_loop3A_81 : vector<16xi32>
      %parallel_loop3A_83 = arith.constant 0.000000e+00 : f32
      %parallel_loop3A_84 = vector.broadcast %parallel_loop3A_83 : f32 to vector<16xf32>
      %parallel_loop3A_85 = arith.select %parallel_loop3A_82, %parallel_loop3A_77, %parallel_loop3A_84 : vector<16xi1>, vector<16xf32>
      tpu.vector_store_idx %arg8[%parallel_loop3A_66], %parallel_loop3A_85 {add = true} : memref<10000xf32, #tpu.memory_space<vmem>>[vector<16xi32>], vector<16xf32>,
    } {sc.loop_unroll_factor = 8 : i64, sc.parallel_access}
    "tpu.region"() ({
      %run_scoped3A = tpu.sem_alloc : memref<!tpu.dma_semaphore, #tpu.memory_space<semaphore_mem>>
      %dma_start3A_50 = arith.constant 0 : i32
      %dma_start3A_51 = tpu.memref_slice %arg4[%add3A, %dma_start3A_50] : memref<32x10000xf32, #tpu.memory_space<hbm>> -> memref<1x10000xf32, #tpu.memory_space<hbm>>
      %dma_start3A_52 = tpu.memref_squeeze %dma_start3A_51 : memref<1x10000xf32, #tpu.memory_space<hbm>> -> memref<10000xf32, #tpu.memory_space<hbm>>
      %dma_start3A_53 = arith.constant 0 : i32
      %dma_start3A_54 = tpu.memref_slice %arg4[%add3A, %dma_start3A_53] : memref<32x10000xf32, #tpu.memory_space<hbm>> -> memref<1x10000xf32, #tpu.memory_space<hbm>>
      %dma_start3A_55 = tpu.memref_squeeze %dma_start3A_54 : memref<1x10000xf32, #tpu.memory_space<hbm>> -> memref<10000xf32, #tpu.memory_space<hbm>>
      tpu.enqueue_dma source(%arg8 : memref<10000xf32, #tpu.memory_space<vmem>>) target(%dma_start3A_55 : memref<10000xf32, #tpu.memory_space<hbm>>) target_semaphore(%run_scoped3A : memref<!tpu.dma_semaphore, #tpu.memory_space<semaphore_mem>>)
      %dma_wait3A_56 = arith.constant 0 : i32
      %dma_wait3A_57 = tpu.memref_slice %arg4[%add3A, %dma_wait3A_56] : memref<32x10000xf32, #tpu.memory_space<hbm>> -> memref<1x10000xf32, #tpu.memory_space<hbm>>
      %dma_wait3A_58 = tpu.memref_squeeze %dma_wait3A_57 : memref<1x10000xf32, #tpu.memory_space<hbm>> -> memref<10000xf32, #tpu.memory_space<hbm>>
      %dma_wait3A_59 = arith.constant 0 : i32
      %dma_wait3A_60 = tpu.memref_slice %arg4[%add3A, %dma_wait3A_59] : memref<32x10000xf32, #tpu.memory_space<hbm>> -> memref<1x10000xf32, #tpu.memory_space<hbm>>
      %dma_wait3A_61 = tpu.memref_squeeze %dma_wait3A_60 : memref<1x10000xf32, #tpu.memory_space<hbm>> -> memref<10000xf32, #tpu.memory_space<hbm>>
      tpu.wait_dma2 semaphore(%run_scoped3A : memref<!tpu.dma_semaphore, #tpu.memory_space<semaphore_mem>>) src(%arg8 : memref<10000xf32, #tpu.memory_space<vmem>>) dst(%dma_wait3A_61 : memref<10000xf32, #tpu.memory_space<hbm>>)
      tpu.yield
    }) : () -> ()
    return
  }
}

module attributes {stable_mosaic.version = 14 : i64} {
  func.func @_tc_norm_body(%arg0: memref<10000x128xf32, #tpu.memory_space<vmem>>, %arg1: memref<32x10000xf32, #tpu.memory_space<vmem>>, %arg2: memref<128xf32, #tpu.memory_space<vmem>>, %arg3: memref<128xf32, #tpu.memory_space<vmem>>, %arg4: memref<10000x128xf32, #tpu.memory_space<vmem>>) attributes {dimension_semantics = [], scalar_prefetch = 0 : i64, scratch_operands = 0 : i64, tpu.core_type = #tpu.core_type<tc>} {
    %get3A = arith.constant 0 : index
    %get3A_0 = arith.constant 0 : index
    %get3A_1 = vector.load %arg0[%get3A, %get3A_0] : memref<10000x128xf32, #tpu.memory_space<vmem>>, vector<10000x128xf32>
    %get3A_2 = arith.constant 0 : index
    %get3A_3 = arith.constant 0 : index
    %get3A_4 = vector.load %arg1[%get3A_2, %get3A_3] : memref<32x10000xf32, #tpu.memory_space<vmem>>, vector<32x10000xf32>
    %reduce_sum3A = arith.constant dense<0.000000e+00> : vector<10000xf32>
    %reduce_sum3A_5 = vector.multi_reduction <add>, %get3A_4, %reduce_sum3A [0] : vector<32x10000xf32> to vector<10000xf32>
    %reshape3A = vector.shape_cast %reduce_sum3A_5 : vector<10000xf32> to vector<10000x1xf32>
    %eq3A = arith.constant 0.000000e+00 : f32
    %eq3A_6 = vector.broadcast %eq3A : f32 to vector<10000x1xf32>
    %eq3A_7 = arith.cmpf oeq, %reshape3A, %eq3A_6 : vector<10000x1xf32>
    %jit3A = arith.constant 1.000000e+00 : f32
    %broadcast_in_dim3A = vector.broadcast %jit3A : f32 to vector<10000x1xf32>
    %select_n3A = arith.select %eq3A_7, %broadcast_in_dim3A, %reshape3A : vector<10000x1xi1>, vector<10000x1xf32>
    %div3A = vector.broadcast %select_n3A : vector<10000x1xf32> to vector<10000x128xf32>
    %div3A_8 = arith.divf %get3A_1, %div3A : vector<10000x128xf32>
    %max3A = arith.constant 0.000000e+00 : f32
    %max3A_9 = vector.broadcast %max3A : f32 to vector<10000x128xf32>
    %max3A_10 = arith.maximumf %div3A_8, %max3A_9 : vector<10000x128xf32>
    %add3A = arith.addf %max3A_10, %get3A_1 : vector<10000x128xf32>
    %mul3A = arith.mulf %add3A, %add3A : vector<10000x128xf32>
    %reduce_sum3A_11 = arith.constant dense<0.000000e+00> : vector<10000xf32>
    %reduce_sum3A_12 = vector.multi_reduction <add>, %mul3A, %reduce_sum3A_11 [1] : vector<10000x128xf32> to vector<10000xf32>
    %broadcast_in_dim3A_13 = vector.shape_cast %reduce_sum3A_12 : vector<10000xf32> to vector<10000x1xf32>
    %div3A_14 = arith.constant 1.280000e+02 : f32
    %div3A_15 = vector.broadcast %div3A_14 : f32 to vector<10000x1xf32>
    %div3A_16 = arith.divf %broadcast_in_dim3A_13, %div3A_15 : vector<10000x1xf32>
    %add3A_17 = arith.constant 9.99999974E-6 : f32
    %add3A_18 = vector.broadcast %add3A_17 : f32 to vector<10000x1xf32>
    %add3A_19 = arith.addf %div3A_16, %add3A_18 : vector<10000x1xf32>
    %rsqrt3A = math.rsqrt %add3A_19 : vector<10000x1xf32>
    %mul3A_20 = vector.broadcast %rsqrt3A : vector<10000x1xf32> to vector<10000x128xf32>
    %mul3A_21 = arith.mulf %add3A, %mul3A_20 : vector<10000x128xf32>
    %get3A_22 = arith.constant 0 : index
    %get3A_23 = vector.load %arg2[%get3A_22] : memref<128xf32, #tpu.memory_space<vmem>>, vector<128xf32>
    %reshape3A_24 = vector.shape_cast %get3A_23 : vector<128xf32> to vector<1x128xf32>
    %mul3A_25 = vector.broadcast %reshape3A_24 : vector<1x128xf32> to vector<10000x128xf32>
    %mul3A_26 = arith.mulf %mul3A_21, %mul3A_25 : vector<10000x128xf32>
    %get3A_27 = arith.constant 0 : index
    %get3A_28 = vector.load %arg3[%get3A_27] : memref<128xf32, #tpu.memory_space<vmem>>, vector<128xf32>
    %reshape3A_29 = vector.shape_cast %get3A_28 : vector<128xf32> to vector<1x128xf32>
    %add3A_30 = vector.broadcast %reshape3A_29 : vector<1x128xf32> to vector<10000x128xf32>
    %add3A_31 = arith.addf %mul3A_26, %add3A_30 : vector<10000x128xf32>
    %swap3A = arith.constant 0 : index
    %swap3A_32 = arith.constant 0 : index
    %swap3A_33 = vector.load %arg4[%swap3A, %swap3A_32] : memref<10000x128xf32, #tpu.memory_space<vmem>>, vector<10000x128xf32>
    tpu.vector_store %arg4[%swap3A, %swap3A_32], %add3A_31 {strides = array<i32>} : memref<10000x128xf32, #tpu.memory_space<vmem>>, vector<10000x128xf32>,
    return
  }
}

module attributes {stable_mosaic.version = 14 : i64} {
  func.func @_tc_logits_body(%arg0: memref<10000x128xf32, #tpu.memory_space<vmem>>, %arg1: memref<128x128xf32, #tpu.memory_space<vmem>>, %arg2: memref<1x256xf32, #tpu.memory_space<vmem>>, %arg3: memref<128xf32, #tpu.memory_space<vmem>>, %arg4: memref<2x10000xf32, #tpu.memory_space<vmem>>) attributes {dimension_semantics = [], scalar_prefetch = 0 : i64, scratch_operands = 0 : i64, tpu.core_type = #tpu.core_type<tc>} {
    %get3A = arith.constant 0 : index
    %get3A_0 = arith.constant 0 : index
    %get3A_1 = vector.load %arg2[%get3A, %get3A_0] : memref<1x256xf32, #tpu.memory_space<vmem>>, vector<1x256xf32>
    %slice3A = vector.extract_strided_slice %get3A_1 {offsets = [0, 0], sizes = [1, 128], strides = [1, 1]} : vector<1x256xf32> to vector<1x128xf32>
    %slice3A_2 = vector.extract_strided_slice %get3A_1 {offsets = [0, 128], sizes = [1, 128], strides = [1, 1]} : vector<1x256xf32> to vector<1x128xf32>
    %concatenate3A = tpu.concatenate %slice3A, %slice3A_2 in 0 : vector<1x128xf32>, vector<1x128xf32> -> vector<2x128xf32>
    %get3A_3 = arith.constant 0 : index
    %get3A_4 = arith.constant 0 : index
    %get3A_5 = vector.load %arg1[%get3A_3, %get3A_4] : memref<128x128xf32, #tpu.memory_space<vmem>>, vector<128x128xf32>
    %dot_general3A = arith.constant dense<0.000000e+00> : vector<2x128xf32>
    %dot_general3A_6 = tpu.matmul %concatenate3A, %get3A_5, %dot_general3A {dimension_numbers = #tpu.dot_dimension_numbers<[1], [0], [0], [1], [0, 0, 1, 1], [], []>, transpose_lhs_hint = false} : vector<2x128xf32>, vector<128x128xf32>, vector<2x128xf32> -> vector<2x128xf32>
    %get3A_7 = arith.constant 0 : index
    %get3A_8 = arith.constant 0 : index
    %get3A_9 = vector.load %arg0[%get3A_7, %get3A_8] : memref<10000x128xf32, #tpu.memory_space<vmem>>, vector<10000x128xf32>
    %dot_general3A_10 = arith.constant dense<0.000000e+00> : vector<2x10000xf32>
    %dot_general3A_11 = tpu.matmul %dot_general3A_6, %get3A_9, %dot_general3A_10 {dimension_numbers = #tpu.dot_dimension_numbers<[1], [1], [0], [0], [0, 0, 1, 0], [], []>, transpose_lhs_hint = false} : vector<2x128xf32>, vector<10000x128xf32>, vector<2x10000xf32> -> vector<2x10000xf32>
    %slice3A_12 = vector.extract_strided_slice %get3A_1 {offsets = [0, 0], sizes = [1, 128], strides = [1, 1]} : vector<1x256xf32> to vector<1x128xf32>
    %slice3A_13 = vector.extract_strided_slice %get3A_1 {offsets = [0, 128], sizes = [1, 128], strides = [1, 1]} : vector<1x256xf32> to vector<1x128xf32>
    %add3A = arith.addf %slice3A_12, %slice3A_13 : vector<1x128xf32>
    %get3A_14 = arith.constant 0 : index
    %get3A_15 = vector.load %arg3[%get3A_14] : memref<128xf32, #tpu.memory_space<vmem>>, vector<128xf32>
    %reshape3A = vector.shape_cast %get3A_15 : vector<128xf32> to vector<1x128xf32>
    %mul3A = arith.mulf %add3A, %reshape3A : vector<1x128xf32>
    %reduce_sum3A = vector.shape_cast %mul3A : vector<1x128xf32> to vector<1x1x128xf32>
    %reduce_sum3A_16 = arith.constant dense<0.000000e+00> : vector<1xf32>
    %reduce_sum3A_17 = vector.multi_reduction <add>, %reduce_sum3A, %reduce_sum3A_16 [1, 2] : vector<1x1x128xf32> to vector<1xf32>
    %reduce_sum3A_18 = vector.shape_cast %reduce_sum3A_17 : vector<1xf32> to vector<1x1x1xf32>
    %reduce_sum3A_19 = vector.extract %reduce_sum3A_18[0, 0, 0] : f32 from vector<1x1x1xf32>
    %iota3A = tpu.iota {dimensions = array<i32: 0>} : vector<2x10000xi32>
    %eq3A = arith.constant 1 : i32
    %eq3A_20 = vector.broadcast %eq3A : i32 to vector<2x10000xi32>
    %eq3A_21 = arith.cmpi eq, %iota3A, %eq3A_20 : vector<2x10000xi32>
    %jit3A = arith.constant 0.000000e+00 : f32
    %broadcast_in_dim3A = vector.broadcast %reduce_sum3A_19 : f32 to vector<2x10000xf32>
    %broadcast_in_dim3A_22 = vector.broadcast %jit3A : f32 to vector<2x10000xf32>
    %select_n3A = arith.select %eq3A_21, %broadcast_in_dim3A, %broadcast_in_dim3A_22 : vector<2x10000xi1>, vector<2x10000xf32>
    %add3A_23 = arith.addf %dot_general3A_11, %select_n3A : vector<2x10000xf32>
    %swap3A = arith.constant 0 : index
    %swap3A_24 = arith.constant 0 : index
    %swap3A_25 = vector.load %arg4[%swap3A, %swap3A_24] : memref<2x10000xf32, #tpu.memory_space<vmem>>, vector<2x10000xf32>
    tpu.vector_store %arg4[%swap3A, %swap3A_24], %add3A_23 {strides = array<i32>} : memref<2x10000xf32, #tpu.memory_space<vmem>>, vector<2x10000xf32>,
    return
  }
}

</mosaic_0001>

<sc_bundles>
// kernel: kernel.5.cloned.1.call-start
scs
__scs_entry_jumppad:
0x0: {  	(pc) =	sbr.rel $0x88, $3  }
0x1: {  	(tag) =	ssettag $0x0;
	lr =	simm.s32 $0x1  }
0x2: {  	[smem:$0x3F9A] =	sst lr;
	_ =	strace $0xD0000000  }
0x3: {  	_ = 	snop  }
0x4: {  	_ = 	snop  }
0x5: {  	_ = 	snop  }
0x6: {  	_ = 	snop  }
0x7: {  	_ = 	snop  }
__scs_overlays_trampoline_lowered:
0x8: {  	[smem:$0x3FA9] =	sst s0  }
0x9: {  	[smem:$0x3FAA] =	sst s1  }
0xa: {  	[smem:$0x3FAB] =	sst s2  }
0xb: {  	[smem:$0x3FAC] =	sst s3  }
0xc: {  	[smem:$0x3FAD] =	sst s4  }
0xd: {  	[smem:$0x3FAE] =	sst s5  }
0xe: {  	[smem:$0x3FAF] =	sst s6  }
0xf: {  	[smem:$0x3FB0] =	sst s7  }
0x10: {  	[smem:$0x3FB1] =	sst s8  }
0x11: {  	[smem:$0x3FB2] =	sst s9;
	s0 =	simm.s32 @!p0 $0x0  }
0x12: {  	s1 =	sld [smem:$0x3F98];
	s0 =	simm.s32 @p0 $0x1  }
0x13: {  	[smem:$0x3FB3] =	sst s0;
	s0 =	simm.s32 @!p1 $0x0  }
0x14: {  	s2 =	sld [smem:$0x3F97];
	s0 =	simm.s32 @p1 $0x1  }
0x15: {  	[smem:$0x3FB4] =	sst s0;
	s0 =	simm.s32 @!p2 $0x0  }
0x16: {  	s3 =	sld [smem:$0x3FDB];
	s0 =	simm.s32 @p2 $0x1  }
0x17: {  	s4 =	simm.s32 $0x1BF5;
	[smem:$0x3FB6] =	sst s0  }
0x18: {  	s0 =	sld [smem:$0x3F99];
	_ =	swait.ge [sflag:s4], $0x0  }
0x19: {  	s7 =	sld [smem:$0x3F9A]  }
0x1a: {  	s8 =	sadd.s32 $0xFFFFE003, lr  }
0x1b: {  	s9 =	sadd.s32 $0xFFFFFEF7, lr;
	s5 =	simm.s32 $0xFFFFFFFF;
	p2 =	slt.u32 s8, $0xFFFFF086  }
0x1c: {  	p1 =	slt.u32 s9, $0xF7A;
	s5 =	simm.s32 @!p2 $0x0  }
0x1d: {  	s5 =	simm.s32 @p1 $0x1;
	p0 =	seq.s32 s7, s2  }
0x1e: {  	s7 =	smul.u32 @!p0 $0xF7A, s2;
	p2 =	seq.s32 @!p0 s5, $0x0  }
0x1f: {  	s9 =	smul.u32 $0xF7A, s1;
	s8 =	simm.s32 @!p0 $0x1BF5;
	p2 =	por !p2, p0  }
0x20: {  	[sflag:s8] =	ssyncset.s32 @!p0 $0xFFFFF086;
	s6 =	sadd.s32 @!p0 s3, s7;
	s7 =	simm.s32 @!p0 $0x108  }
0x21: {  	s3 =	sadd.s32 s3, s9;
	s6 =	sadd.s32 @!p0 $0x88, s6;
	s7 =	simm.s32 @p2 $0x1082  }
0x22: {  	[simem:s7], [sflag:s8] =	dma.local @!p0 [hbm:s6], $0xF7A  }
0x23: {  	s9 =	sor.u32 $0xD0000000, s2;
	s6 =	simm.s32 $0x108;
	_ =	swait.ge @!p0 [sflag:s8], $0x0  }
0x24: {  	s3 =	sadd.s32 $0x88, s3;
	s6 =	simm.s32 @!p1 $0x1082;
	[sflag:s4] =	ssyncset.s32 $0xFFFFF086  }
0x25: {  	[simem:s6], [sflag:s4] =	dma.local [hbm:s3], $0xF7A  }
0x26: {  	[smem:$0x3F9A] =	sst s1;
	(tag) =	ssettag s2;
	_ =	strace s9  }
0x27: {  	s1 =	sld [smem:$0x3FAA]  }
0x28: {  	s2 =	sld [smem:$0x3FAB]  }
0x29: {  	s4 =	sld [smem:$0x3FAD]  }
0x2a: {  	p0 =	seq.s32 s5, $0x0;
	s5 =	sld [smem:$0x3FAE]  }
0x2b: {  	s6 =	sld [smem:$0x3FAF]  }
0x2c: {  	s7 =	sld [smem:$0x3FB0]  }
0x2d: {  	s3 =	simm.s32 $0x108;
	s8 =	sld [smem:$0x3FB1]  }
0x2e: {  	s3 =	simm.s32 @!p0 $0x1082;
	s9 =	sld [smem:$0x3FB2]  }
0x2f: {  	lr =	sadd.s32 s0, s3;
	s0 =	sld [smem:$0x3FA9]  }
0x30: {  	s3 =	sld [smem:$0x3FAC]  }
0x31: {  	[smem:$0x3FB5] =	sst s10  }
0x32: {  	s10 =	sld [smem:$0x3FB3];
	_ =	sdelay $0x3  }
0x33: {  	p0 =	seq.s32 s10, $0x1;
	s10 =	sld [smem:$0x3FB5];
	_ =	sdelay $0x3  }
0x34: {  	[smem:$0x3FB5] =	sst s10  }
0x35: {  	s10 =	sld [smem:$0x3FB4];
	_ =	sdelay $0x3  }
0x36: {  	p1 =	seq.s32 s10, $0x1;
	s10 =	sld [smem:$0x3FB5];
	_ =	sdelay $0x3  }
0x37: {  	[smem:$0x3FB5] =	sst s10  }
0x38: {  	s10 =	sld [smem:$0x3FB6]  }
0x39: {  	_ = 	snop;
	(pc) =	sbr.ind lr, $3  }
0x3a: {  	_ = 	snop  }
0x3b: {  	_ = 	snop  }
0x3c: {  	p2 =	seq.s32 s10, $0x1;
	s10 =	sld [smem:$0x3FB5]  }
0x3d: {  	_ =	shalt  }
0x3e: {  	_ =	shalt  }
0x3f: {  	_ =	shalt  }
0x40: {  	_ =	shalt  }
0x41: {  	_ =	shalt  }
0x42: {  	_ =	shalt  }
0x43: {  	_ =	shalt  }
0x44: {  	_ =	shalt  }
0x45: {  	_ =	shalt  }
0x46: {  	_ =	shalt  }
0x47: {  	_ =	shalt  }
0x48: {  	_ =	shalt  }
0x49: {  	_ =	shalt  }
0x4a: {  	_ =	shalt  }
0x4b: {  	_ =	shalt  }
0x4c: {  	_ =	shalt  }
0x4d: {  	_ =	shalt  }
0x4e: {  	_ =	shalt  }
0x4f: {  	_ =	shalt  }
0x50: {  	_ =	shalt  }
0x51: {  	_ =	shalt  }
0x52: {  	_ =	shalt  }
0x53: {  	_ =	shalt  }
0x54: {  	_ =	shalt  }
0x55: {  	_ =	shalt  }
0x56: {  	_ =	shalt  }
0x57: {  	_ =	shalt  }
0x58: {  	_ =	shalt  }
0x59: {  	_ =	shalt  }
0x5a: {  	_ =	shalt  }
0x5b: {  	_ =	shalt  }
0x5c: {  	_ =	shalt  }
0x5d: {  	_ =	shalt  }
0x5e: {  	_ =	shalt  }
0x5f: {  	_ =	shalt  }
0x60: {  	_ =	shalt  }
0x61: {  	_ =	shalt  }
0x62: {  	_ =	shalt  }
0x63: {  	_ =	shalt  }
0x64: {  	_ =	shalt  }
0x65: {  	_ =	shalt  }
0x66: {  	_ =	shalt  }
0x67: {  	_ =	shalt  }
0x68: {  	_ =	shalt  }
0x69: {  	_ =	shalt  }
0x6a: {  	_ =	shalt  }
0x6b: {  	_ =	shalt  }
0x6c: {  	_ =	shalt  }
0x6d: {  	_ =	shalt  }
0x6e: {  	_ =	shalt  }
0x6f: {  	_ =	shalt  }
0x70: {  	_ =	shalt  }
0x71: {  	_ =	shalt  }
0x72: {  	_ =	shalt  }
0x73: {  	_ =	shalt  }
0x74: {  	_ =	shalt  }
0x75: {  	_ =	shalt  }
0x76: {  	_ =	shalt  }
0x77: {  	_ =	shalt  }
0x78: {  	_ =	shalt  }
0x79: {  	_ =	shalt  }
0x7a: {  	_ =	shalt  }
0x7b: {  	_ =	shalt  }
0x7c: {  	_ =	shalt  }
0x7d: {  	_ =	shalt  }
0x7e: {  	_ =	shalt  }
0x7f: {  	_ =	shalt  }
0x80: {  	_ =	shalt  }
0x81: {  	_ =	shalt  }
0x82: {  	_ =	shalt  }
0x83: {  	_ =	shalt  }
0x84: {  	_ =	shalt  }
0x85: {  	_ =	shalt  }
0x86: {  	_ =	shalt  }
0x87: {  	_ =	shalt  }
.Lfunc_end0:
.L_simem_size_0:
called_computation_lowered:
.L_overlay_start_0:
0x88: {  	s2 =	sld [smem:$0x3FD9]  }
0x89: {  	s3 =	sld [smem:$0x3FFE];
	_ =	sdelay $0x1  }
0x8a: {  	s1 =	srdreg.scid  }
0x8b: {  	s0 =	sand.u32 $0x1, s1  }
0x8c: {  	s17 =	sshll.u32 s0, $0xA;
	s2 =	sadd.s32 s3, s2  }
0x8d: {  	s2 =	sadd.s32 s2, s17  }
0x8e: {  	[smem:$0x3FC1] =	sst s2  }
0x8f: {  	_ = 	snop  }
0x90: {  	s2 =	sld [smem:$0x3FC8]  }
0x91: {  	s18 =	sld [smem:$0x3FD0];
	(tm) =	ssettm $0x1  }
0x92: {  	s4 =	sld [smem:$0x3FFB];
	_ =	sdelay $0x3  }
0x93: {  	_ =	strace s4  }
0x94: {  	s4 =	sld [smem:$0x3FFC];
	_ =	sdelay $0x3  }
0x95: {  	_ =	strace s4  }
0x96: {  	s4 =	sld [smem:$0x3FFD];
	_ =	sdelay $0x3  }
0x97: {  	_ =	strace s4  }
0x98: {  	_ =	strace $0x8FFFFFFF  }
0x99: {  	s19 =	sld [smem:$0x3FDB];
	_ =	sdelay $0x1  }
0x9a: {  	s5 =	simm.s32 $_scs_section_size  }
0x9b: {  	s6 =	simm.s32 $_size__tile_overlayer_lowered;
	s7 =	simm.s32 $_tile_overlayer_lowered  }
0x9c: {  	s22 =	simm.s32 $0x1BFF;
	s21 =	sshll.u32 s7, $0x1;
	s4 =	sadd.s32 s5, s19  }
0x9d: {  	s8 =	simm.s32 $0x0;
	s20 =	sshll.u32 s6, $0x1;
	s6 =	sadd.s32 s21, s4  }
0x9e: {  	[timem:s8], [sflag:s22] =	dma.local [hbm:s6], s20  }
0x9f: {  	_ =	swait.ge [sflag:s22], s20  }
0xa0: {  	s5 =	ssub.s32 $0x0, s20;
	[sflag:s22] =	ssyncset.done $0x0  }
0xa1: {  	[sflag:s22] =	ssyncadd.s32 s5;
	_ =	sdelay $0x1  }
0xa2: {  	s23 =	simm.s32 $0x1B8B  }
0xa3: {  	_ =	swait.ge [sflag:s23], $0x1  }
0xa4: {  	[sflag:s23] =	ssyncset.done $0x0  }
0xa5: {  	s25 =	simm.s32 $0x1B8E;
	s24 =	sld [smem:$0x3FFE];
	[sflag:s23] =	ssyncadd.s32 $0xFFFFFFFF  }
0xa6: {  	s26 =	simm.s32 $execute0_lowered;
	[smem:$0x3FD2] =	sst s25  }
0xa7: {  	s6 =	sshll.u32 s26, $0x1;
	_ =	strace $0x80000046;
	[dreg:$0x1] =	wrdreg $0xFFFFFFFF  }
0xa8: {  	s28 =	simm.s32 $_size_execute0_lowered;
	s4 =	sadd.s32 s4, s6;
	[dreg:$0x0] =	wrdreg $0x0  }
0xa9: {  	s6 =	sshll.u32 s28, $0x1;
	[dreg:$0x2] =	wrdreg s4  }
0xaa: {  	[dreg:$0x3] =	wrdreg s6  }
0xab: {  	[dreg:$0x4] =	wrdreg $0xC0  }
0xac: {  	_ =	task [dreg:s8], $0x5FFFF  }
0xad: {  	[dreg:$0x1] =	wrdreg $0xFFFFFFFF  }
0xae: {  	[dreg:$0x0] =	wrdreg $0x60  }
0xaf: {  	[dreg:$0x2] =	wrdreg s24  }
0xb0: {  	[dreg:$0x3] =	wrdreg s2  }
0xb1: {  	[dreg:$0x4] =	wrdreg s18  }
0xb2: {  	[dreg:$0x5] =	wrdreg $0x9  }
0xb3: {  	_ =	task.clear_ibuf [dreg:s8], $0x6FFFF;
	_ =	strace $0x90000046  }
0xb4: {  	s29 =	simm.s32 $0x9;
	_ =	strace $0x80000048  }
0xb5: {  	_ =	swait.ge [sflag:s29], $0x1  }
0xb6: {  	[sflag:s29] =	ssyncadd.s32 $0xFFFFFFFF  }
0xb7: {  	_ =	strace $0x90000048  }
0xb8: {  	_ =	sfence  }
0xb9: {  	s30 =	sld [smem:$0x0];
	_ =	sdelay $0x2  }
0xba: {  	s31 =	sshll.u32 s1, $0xD;
	s1 =	sshrl.u32 s1, $0x2  }
0xbb: {  	s3 =	sand.u32 $0x4000, s31;
	s1 =	sadd.s32 s1, s30  }
0xbc: {  	s0 =	sor.u32 s3, s0;
	s1 =	sshll.u32 s1, $0x11  }
0xbd: {  	s0 =	sor.u32 s1, s0  }
0xbe: {  	s0 =	sadd.s32 $0x8F2B, s0  }
0xbf: {  	[sflag:s0] =	ssyncadd.remote.s32 $0x1  }
0xc0: {  	_ =	sfence.sel $0xFFFF  }
0xc1: {  	[dreg:$0x0] =	wrdreg $0xFFFFFFFF;
	(pc) =	sbr.abs _section_cstart, $3  }
0xc2: {  	[dreg:$0x1] =	wrdreg $0xFFFFFFFF  }
0xc3: {  	_ =	task.clear_ibuf [dreg:s8], $0x2FFFF;
	_ =	strace $0x9FFFFFFF  }
0xc4: {  	(tm) =	ssettm $0x7FFFFFFF  }
0xc5: {  	_ =	shalt  }
tec
execute0_lowered:
.L_overlay_start_1:
0x0: {  	(tag) =	ssettag $0x1  }
0x1: {  	s6 =	rddreg [dreg:$0x0]  }
0x2: {  	s5 =	rddreg [dreg:$0x1]  }
0x3: {  	s7 =	rddreg [dreg:$0x2];
	s3 =	srdreg.scid  }
0x4: {  	s0 =	stileid.u32;
	s2 =	simm.s32 $0x0;
	s15 =	simm.s32 $0x2  }
0x5: {  	s16 =	simm.s32 $0x3;
	s17 =	simm.s32 $0x9F00;
	s19 =	simm.s32 $0x4  }
0x6: {  	s20 =	simm.s32 $0x0;
	s8 =	sand.u32 $0x1, s3;
	s28 =	sshll.u32 s0, $0x1  }
0x7: {  	[smem:$0x7FF] =	sst s2;
	s1 =	sadd.s32 $0x1C00, s6;
	s13 =	sshrl.u32 s0, $0x2  }
0x8: {  	p0 =	slt.u32 s0, $0x2;
	s14 =	smul.u32 $0x9C, s0;
	s6 =	sadd.s32 $0x1C10, s6  }
0x9: {  	s9 =	sor.u32 s8, s28;
	_ =	strace $0x80000047;
	s13 =	smul.u32 $0x13C00, s13  }
0xa: {  	s4 =	ssub.s32 $0x2, s8;
	[dreg:$0x4] =	wrdreg s1;
	s8 =	smul.u32 $0x4E, s8  }
0xb: {  	s10 =	smul.u32 $0x4E, s9;
	s11 =	sshrl.u32 s4, $0x1;
	s12 =	smin.u32 s9, $0x4  }
0xc: {  	s9 =	sshll.u32 s9, $0x7;
	s11 =	ssub.s32 s4, s11;
	s4 =	simm.s32 $0x2710  }
0xd: {  	s9 =	sand.u32 $0x380, s9;
	s10 =	sadd.s32 s12, s10;
	s4 =	simm.s32 @!p0 $0x2690  }
0xe: {  	s12 =	sadd.s32 s14, s12;
	s9 =	sor.u32 s13, s9;
	s13 =	simm.s32 $0x2780  }
0xf: {  	s14 =	simm.s32 $0x1;
	s10 =	sshll.u32 s10, $0x7;
	s8 =	sadd.s32 s8, s12  }
0x10: {  	s9 =	sshrl.u32 s9, $0x3;
	s12 =	simm.s32 $0x100;
	s10 =	smin.u32 s10, $0x4BA00  }
0x11: {  	s30 =	sshll.u32 s8, $0x7;
	s7 =	sadd.s32 s7, s9;
	s10 =	sshrl.u32 s10, $0x2  }
0x12: {  	s8 =	smax.u32 s11, $0x1;
	s31 =	smax.u32 s30, $0x4BA00;
	s29 =	sadd.s32 s5, s10  }
0x13: {  	v0 =	vimm.f32 $0.0e+00;
	v1 =	vlaneseq.u32;
	s11 =	simm.s32 $0x80;
	s9 =	sadd.s32 $0xFFFB4670, s31;
	[dreg:$0x5] =	wrdreg s29  }
.LBB2_1:
0x14: {  	s0 =	rddreg [dreg:$0x5];
	s1 =	simm.s32 $0x4F00  }
0x15: {  	[tilespmem:s1], [sflag:$0x1] =	stream.linear.gather [hbm4b:s0+s2], $0x5000, $0x38;
	[tilespmem:$0xC680] =	vst v63  }
0x16: {  	s31 =	rddreg [dreg:$0x4]  }
0x17: {  	[tilespmem:s2], [sflag:$0x2] =	stream.strided.gather [hbm4b:s31+s11], $0x2780, s12, s11, $0x38;
	[tilespmem:$0xC680] =	vst v63  }
0x18: {  	s21 =	simm.s32 $0x9FC0  }
0x19: {  	[tilespmem:s13], [sflag:$0x3] =	stream.strided.gather [hbm4b:s6+s11], $0x2780, s12, s11, $0x38;
	[tilespmem:$0xC680] =	vst v63  }
0x1a: {  	[tilespmem:s21+$0xFFFFFF50] =	vst v0  }
0x1b: {  	[tilespmem:s21+$0xFFFFFF60] =	vst v0  }
0x1c: {  	[tilespmem:s21+$0xFFFFFF70] =	vst v0  }
0x1d: {  	[tilespmem:s21+$0xFFFFFF80] =	vst v0  }
0x1e: {  	[tilespmem:s21+$0xFFFFFF90] =	vst v0  }
0x1f: {  	[tilespmem:s21+$0xFFFFFFA0] =	vst v0  }
0x20: {  	[tilespmem:s21+$0xFFFFFFB0] =	vst v0  }
0x21: {  	[tilespmem:s21+$0xFFFFFFD0] =	vst v0  }
0x22: {  	[tilespmem:s21+$0xFFFFFFE0] =	vst v0  }
0x23: {  	[tilespmem:s21+$0xFFFFFFF0] =	vst v0  }
0x24: {  	[tilespmem:s21+$0x0] =	vst v0  }
0x25: {  	[tilespmem:s21+$0x10] =	vst v0  }
0x26: {  	[tilespmem:s21+$0x20] =	vst v0  }
0x27: {  	[tilespmem:s21+$0x30] =	vst v0  }
0x28: {  	[tilespmem:s21+$0x50] =	vst v0  }
0x29: {  	[tilespmem:s21+$0x60] =	vst v0  }
0x2a: {  	[tilespmem:s21+$0x70] =	vst v0  }
0x2b: {  	[tilespmem:s21+$0x80] =	vst v0  }
0x2c: {  	[tilespmem:s21+$0x90] =	vst v0  }
0x2d: {  	[tilespmem:s21+$0xA0] =	vst v0  }
0x2e: {  	[tilespmem:s21+$0xB0] =	vst v0  }
0x2f: {  	s23 =	sand.u32 $0x3FF0, s2;
	[tilespmem:s21+$0xFFFFFF40] =	vst v0  }
0x30: {  	[tilespmem:s23+$0xA080] =	vst v0  }
0x31: {  	[tilespmem:s23+$0x9F80] =	vst v0  }
0x32: {  	s22 =	simm.s32 $0xA150;
	s21 =	simm.s32 $0x0;
	[tilespmem:s23+$0xA000] =	vst v0;
	s23 =	simm.s32 $0x0  }
.LBB2_2:
0x33: {  	[tilespmem:s22+$0xFFFFFF50] =	vst v0  }
0x34: {  	[tilespmem:s22+$0xFFFFFF60] =	vst v0  }
0x35: {  	[tilespmem:s22+$0xFFFFFF70] =	vst v0  }
0x36: {  	[tilespmem:s22+$0xFFFFFF80] =	vst v0  }
0x37: {  	[tilespmem:s22+$0xFFFFFF90] =	vst v0  }
0x38: {  	[tilespmem:s22+$0xFFFFFFA0] =	vst v0  }
0x39: {  	[tilespmem:s22+$0xFFFFFFB0] =	vst v0  }
0x3a: {  	[tilespmem:s22+$0xFFFFFFD0] =	vst v0  }
0x3b: {  	[tilespmem:s22+$0xFFFFFFE0] =	vst v0  }
0x3c: {  	[tilespmem:s22+$0xFFFFFFF0] =	vst v0  }
0x3d: {  	[tilespmem:s22+$0x0] =	vst v0  }
0x3e: {  	[tilespmem:s22+$0x10] =	vst v0  }
0x3f: {  	[tilespmem:s22+$0x20] =	vst v0  }
0x40: {  	[tilespmem:s22+$0x30] =	vst v0  }
0x41: {  	[tilespmem:s22+$0x50] =	vst v0  }
0x42: {  	[tilespmem:s22+$0x60] =	vst v0  }
0x43: {  	[tilespmem:s22+$0x70] =	vst v0  }
0x44: {  	[tilespmem:s22+$0x80] =	vst v0  }
0x45: {  	s21 =	sadd.s32 $0x19, s21;
	[tilespmem:s22+$0x90] =	vst v0  }
0x46: {  	p0 =	slt.u32 s21, $0x258;
	[tilespmem:s22+$0xA0] =	vst v0  }
.Ltmp0:
0x47: {  	s23 =	sadd.s32 $0x190, s23;
	[tilespmem:s22+$0xB0] =	vst v0;
	(pc) =	sbr.rel @p0 .LBB2_2-.Ltmp0, $4  }
0x48: {  	s24 =	sand.u32 $0x3FF0, s23;
	[tilespmem:s22+$0xFFFFFF40] =	vst v0  }
0x49: {  	s22 =	sadd.s32 $0x190, s22;
	[tilespmem:s24+$0xA080] =	vst v0  }
0x4a: {  	[tilespmem:s24+$0x9F80] =	vst v0  }
0x4b: {  	[tilespmem:s24+$0xA000] =	vst v0  }
0x4c: {  	_ =	swait.ge [sflag:s14], $0x5000  }
0x4d: {  	[sflag:s14] =	ssyncset.done $0x0  }
0x4e: {  	[sflag:s14] =	ssyncadd.s32 $0xFFFFB000  }
0x4f: {  	s21 =	sadd.s32 $0xFFFFFFF0, s9;
	_ =	swait.ge [sflag:s15], $0x2780  }
0x50: {  	p0 =	slt.s32 s21, $0x27F0;
	[sflag:s15] =	ssyncset.done $0x0  }
0x51: {  	s21 =	simm.s32 @!p0 $0x27F0;
	[sflag:s15] =	ssyncadd.s32 $0xFFFFD880  }
0x52: {  	s22 =	sshll.u32 s21, $0x1;
	_ =	swait.ge [sflag:s16], $0x2780  }
0x53: {  	s21 =	sand.u32 $0x70, s21;
	s22 =	sand.u32 $0x7F00, s22;
	[sflag:s16] =	ssyncset.done $0x0  }
0x54: {  	s21 =	sor.u32 s21, s22;
	[sflag:s16] =	ssyncadd.s32 $0xFFFFD880  }
0x55: {  	v2 =	vld [tilespmem:s21+$0x4F00]  }
0x56: {  	v9 =	vld [tilespmem:s21+$0x4F80];
	s21 =	sadd.s32 $0xFFFFFF90, s9  }
0x57: {  	s22 =	sadd.s32 $0xFFFFFFA0, s9;
	p0 =	slt.s32 s21, $0x27F0  }
0x58: {  	s21 =	simm.s32 @!p0 $0x27F0;
	p0 =	slt.s32 s22, $0x27F0  }
0x59: {  	s28 =	sshll.u32 s21, $0x1;
	s22 =	simm.s32 @!p0 $0x27F0  }
0x5a: {  	s21 =	sand.u32 $0x70, s21;
	s28 =	sand.u32 $0x7F00, s28;
	s29 =	sshll.u32 s22, $0x1  }
0x5b: {  	s22 =	sand.u32 $0x70, s22;
	s21 =	sor.u32 s21, s28;
	s10 =	sand.u32 $0x7F00, s29  }
0x5c: {  	s23 =	sadd.s32 $0xFFFFFFB0, s9;
	v10 =	vld [tilespmem:s21+$0x4F00];
	s22 =	sor.u32 s22, s10  }
0x5d: {  	s24 =	sadd.s32 $0xFFFFFFC0, s9;
	p0 =	slt.s32 s23, $0x27F0;
	v11 =	vld [tilespmem:s22+$0x4F00]  }
0x5e: {  	s25 =	sadd.s32 $0xFFFFFFD0, s9;
	s23 =	simm.s32 @!p0 $0x27F0;
	p0 =	slt.s32 s24, $0x27F0;
	v3 =	vld [tilespmem:s22+$0x4F80]  }
0x5f: {  	s26 =	sadd.s32 $0xFFFFFFE0, s9;
	s18 =	sshll.u32 s23, $0x1;
	s24 =	simm.s32 @!p0 $0x27F0;
	v6 =	vld.idx.msk [tilespmem:v2+s2+$0x0], $0xffff  }
0x60: {  	s23 =	sand.u32 $0x70, s23;
	p0 =	slt.s32 s25, $0x27F0;
	s30 =	sand.u32 $0x7F00, s18;
	v7 =	vld.idx.msk [tilespmem:v9+s13+$0x0], $0xffff  }
0x61: {  	s31 =	sshll.u32 s24, $0x1;
	s25 =	simm.s32 @!p0 $0x27F0;
	v2 =	vld [tilespmem:s21+$0x4F80];
	s21 =	sor.u32 s23, s30  }
0x62: {  	s1 =	sand.u32 $0x70, s24;
	p0 =	slt.s32 s26, $0x27F0;
	s0 =	sand.u32 $0x7F00, s31;
	v12 =	vld [tilespmem:s21+$0x4F00]  }
0x63: {  	s3 =	sshll.u32 s25, $0x1;
	s26 =	simm.s32 @!p0 $0x27F0;
	s22 =	sor.u32 s1, s0;
	v4 =	vld [tilespmem:s21+$0x4F80]  }
0x64: {  	s10 =	sand.u32 $0x70, s25;
	s5 =	sand.u32 $0x7F00, s3;
	s18 =	sshll.u32 s26, $0x1;
	v13 =	vld [tilespmem:s22+$0x4F00]  }
0x65: {  	s25 =	sand.u32 $0x70, s26;
	s21 =	sor.u32 s10, s5;
	v5 =	vld [tilespmem:s22+$0x4F80];
	s24 =	sand.u32 $0x7F00, s18  }
0x66: {  	p0 =	slt.s32 s9, $0x27F0;
	s22 =	smov.u32 s9;
	v14 =	vld [tilespmem:s21+$0x4F00];
	s23 =	sor.u32 s25, s24  }
0x67: {  	s22 =	simm.s32 @!p0 $0x27F0;
	v15 =	vld [tilespmem:s23+$0x4F00]  }
0x68: {  	s26 =	sshll.u32 s22, $0x1;
	v8 =	vadd.f32 v7, v6;
	v6 =	vld [tilespmem:s21+$0x4F80]  }
0x69: {  	s21 =	sand.u32 $0x7F00, s26;
	v7 =	vld [tilespmem:s23+$0x4F80]  }
0x6a: {  	v17 =	vld [tilespmem:s21+$0x4F70]  }
0x6b: {  	v10 =	vld.idx.msk [tilespmem:v10+s2+$0x0], $0xffff  }
0x6c: {  	v16 =	vmul.f32 $2.000000030e-01, v8;
	v11 =	vld.idx.msk [tilespmem:v11+s2+$0x0], $0xffff  }
0x6d: {  	vm0 =	vgt.f32 v8, $0.0e+00;
	v18 =	vld.idx.msk [tilespmem:v2+s13+$0x0], $0xffff  }
0x6e: {  	v16 =	vsel vm0, v8, v16;
	v8 =	vld [tilespmem:s21+$0x4FF0]  }
0x6f: {  	s23 =	sadd.s32 $0x80, s9;
	v12 =	vld.idx.msk [tilespmem:v12+s2+$0x0], $0xffff;
	v16 =	vmul.f32 $1.442695020e+00, v16  }
0x70: {  	s21 =	sadd.s32 $0xFFFFFFF0, s23;
	v19 =	vld.idx.msk [tilespmem:v4+s13+$0x0], $0xffff  }
0x71: {  	v13 =	vld.idx.msk [tilespmem:v13+s2+$0x0], $0xffff;
	p0 =	slt.s32 s21, $0x27F0;
	(erf) = vpow2.f32 v16  }
0x72: {  	v20 =	vld.idx.msk [tilespmem:v5+s13+$0x0], $0xffff;
	s21 =	simm.s32 @!p0 $0x27F0  }
0x73: {  	v16 =	vld.idx.msk [tilespmem:v3+s13+$0x0], $0xffff;
	s28 =	sshll.u32 s21, $0x1  }
0x74: {  	v15 =	vld.idx.msk [tilespmem:v15+s2+$0x0], $0xffff;
	s21 =	sand.u32 $0x70, s21;
	s22 =	sand.u32 $0x7F00, s28  }
0x75: {  	s21 =	sor.u32 s21, s22;
	v12 =	vadd.f32 v19, v12;
	v19 =	vld.idx.msk [tilespmem:v7+s13+$0x0], $0xffff  }
0x76: {  	s29 =	sadd.s32 $0x10, s4;
	s24 =	sadd.s32 $0xFFFFFF90, s23;
	v23 =	vld [tilespmem:s21+$0x4F80]  }
0x77: {  	v22 =	vmov s29;
	s25 =	sadd.s32 $0xFFFFFFA0, s23;
	p0 =	slt.s32 s24, $0x27F0;
	v24 =	vld [tilespmem:s21+$0x4F00]  }
0x78: {  	s26 =	sadd.s32 $0xFFFFFFB0, s23;
	v14 =	vld.idx.msk [tilespmem:v14+s2+$0x0], $0xffff;
	s24 =	simm.s32 @!p0 $0x27F0;
	p0 =	slt.s32 s25, $0x27F0;
	v10 =	vadd.f32 v18, v10;
	v11 =	vadd.f32 v16, v11  }
0x79: {  	vm0 =	vgt.s32 v22, v1;
	v21 =	vld.idx.msk [tilespmem:v6+s13+$0x0], $0xffff;
	s28 =	sadd.s32 $0xFFFFFFC0, s23;
	s30 =	sshll.u32 s24, $0x1;
	s25 =	simm.s32 @!p0 $0x27F0  }
0x7a: {  	s24 =	sand.u32 $0x70, s24;
	p0 =	slt.s32 s26, $0x27F0;
	v13 =	vadd.f32 v20, v13;
	v17 =	vld.idx.msk [tilespmem:v17+s2+$0x0], $0xffff;
	s29 =	sand.u32 $0x7F00, s30;
	v16 =	vmul.f32 $2.000000030e-01, v10;
	vm1 =	vgt.f32 v11, $0.0e+00;
	v22 =	vpop (erf)  }
0x7b: {  	s22 =	sadd.s32 $0xFFFFFFD0, s23;
	s30 =	sshll.u32 s25, $0x1;
	s24 =	sor.u32 s24, s29;
	v20 =	vld.idx.msk [tilespmem:v8+s13+$0x0], $0xffff;
	v18 =	vnsel vm0, $0x0, v22;
	vm0 =	vgt.f32 v10, $0.0e+00;
	v22 =	vmul.f32 $2.000000030e-01, v11  }
0x7c: {  	s26 =	simm.s32 @!p0 $0x27F0;
	s25 =	sand.u32 $0x70, s25;
	p0 =	slt.s32 s28, $0x27F0;
	v15 =	vadd.f32 v19, v15;
	v19 =	vld [tilespmem:s24+$0x4F00];
	v10 =	vsel vm0, v10, v16;
	v16 =	vmul.f32 $2.000000030e-01, v12  }
0x7d: {  	s21 =	sadd.s32 $0xFFFFFFE0, s23;
	s28 =	simm.s32 @!p0 $0x27F0;
	p0 =	slt.s32 s22, $0x27F0;
	vm0 =	vgt.f32 v12, $0.0e+00;
	[tilespmem:v9+s17+$0x0] =	vst.idx.add.f32.msk $0xffff, v18;
	v11 =	vsel vm1, v11, v22;
	v22 =	vmul.f32 $2.000000030e-01, v13  }
0x7e: {  	s31 =	sand.u32 $0x7F00, s30;
	s22 =	simm.s32 @!p0 $0x27F0;
	p0 =	slt.s32 s21, $0x27F0;
	v10 =	vmul.f32 $1.442695020e+00, v10;
	v9 =	vsel vm0, v12, v16;
	vm0 =	vgt.f32 v13, $0.0e+00;
	v16 =	vld.idx.msk [tilespmem:v23+s13+$0x0], $0xffff  }
0x7f: {  	s25 =	sor.u32 s25, s31;
	s18 =	sshll.u32 s22, $0x1;
	s21 =	simm.s32 @!p0 $0x27F0;
	v12 =	vadd.f32 v21, v14;
	v14 =	vmul.f32 $1.442695020e+00, v9;
	v9 =	vsel vm0, v13, v22;
	v13 =	vld.idx.msk [tilespmem:v24+s2+$0x0], $0xffff  }
0x80: {  	s22 =	sand.u32 $0x70, s22;
	s29 =	sand.u32 $0x7F00, s18;
	s30 =	sshll.u32 s21, $0x1;
	v17 =	vadd.f32 v20, v17;
	v20 =	vld [tilespmem:s25+$0x4F00];
	v11 =	vmul.f32 $1.442695020e+00, v11  }
0x81: {  	s21 =	sand.u32 $0x70, s21;
	s22 =	sor.u32 s22, s29;
	s31 =	sand.u32 $0x7F00, s30;
	(erf) = vpow2.f32 v10;
	v10 =	vmul.f32 $2.000000030e-01, v12  }
0x82: {  	v27 =	vld [tilespmem:s22+$0x4F00];
	s21 =	sor.u32 s21, s31;
	vm1 =	vgt.f32 v15, $0.0e+00;
	vm0 =	vgt.f32 v12, $0.0e+00;
	v18 =	vmul.f32 $1.442695020e+00, v9  }
0x83: {  	s0 =	sshll.u32 s26, $0x1;
	v26 =	vld [tilespmem:s21+$0x4F00];
	(erf) = vpow2.f32 v11;
	v11 =	vmul.f32 $2.000000030e-01, v15;
	v10 =	vsel vm0, v12, v10  }
0x84: {  	s26 =	sand.u32 $0x70, s26;
	s1 =	sand.u32 $0x7F00, s0;
	v9 =	vld [tilespmem:s24+$0x4F80];
	(erf) = vpow2.f32 v14;
	v14 =	vmul.f32 $1.442695020e+00, v10;
	v13 =	vadd.f32 v16, v13  }
0x85: {  	s24 =	sor.u32 s26, s1;
	v37 =	vld.idx.msk [tilespmem:v19+s2+$0x0], $0xffff;
	v12 =	vmul.f32 $2.000000030e-01, v17;
	v11 =	vsel vm1, v15, v11;
	(erf) = vpow2.f32 v18  }
0x86: {  	s3 =	sshll.u32 s28, $0x1;
	v24 =	vld [tilespmem:s24+$0x4F00];
	vm0 =	vgt.f32 v17, $0.0e+00;
	(erf) = vpow2.f32 v14;
	v14 =	vmul.f32 $2.000000030e-01, v13  }
0x87: {  	s10 =	sand.u32 $0x70, s28;
	s5 =	sand.u32 $0x7F00, s3;
	v10 =	vld [tilespmem:s25+$0x4F80];
	v15 =	vmul.f32 $1.442695020e+00, v11;
	v11 =	vsel vm0, v17, v12;
	vm0 =	vgt.f32 v13, $0.0e+00  }
0x88: {  	s25 =	sor.u32 s10, s5;
	v32 =	vld.idx.msk [tilespmem:v20+s2+$0x0], $0xffff;
	v16 =	vmul.f32 $1.442695020e+00, v11;
	v14 =	vsel vm0, v13, v14  }
0x89: {  	v28 =	vld [tilespmem:s25+$0x4F00];
	(erf) = vpow2.f32 v15;
	v14 =	vmul.f32 $1.442695020e+00, v14  }
0x8a: {  	p0 =	slt.s32 s23, $0x27F0;
	s1 =	sadd.s32 $0x60, s4;
	v12 =	vld [tilespmem:s25+$0x4F80];
	(erf) = vpow2.f32 v16  }
0x8b: {  	s3 =	sadd.s32 $0x50, s4;
	s18 =	sadd.s32 $0x20, s4;
	v21 =	vmov s1;
	v11 =	vld [tilespmem:s24+$0x4F80];
	s24 =	smov.u32 s23;
	v17 =	vpop (erf);
	(erf) = vpow2.f32 v14  }
0x8c: {  	v22 =	vmov s3;
	vm1 =	vgt.s32 v21, v1;
	v21 =	vmov s18;
	s5 =	sadd.s32 $0x40, s4;
	s24 =	simm.s32 @!p0 $0x27F0;
	v15 =	vld [tilespmem:s21+$0x4F80]  }
0x8d: {  	vm2 =	vgt.s32 v22, v1;
	s10 =	sadd.s32 $0x30, s4;
	vm5 =	vgt.s32 v21, v1;
	v29 =	vmov s5;
	s21 =	sadd.s32 $0xFFFFFF80, s4;
	s24 =	sshll.u32 s24, $0x1;
	v13 =	vld [tilespmem:s22+$0x4F80]  }
0x8e: {  	v30 =	vmov s10;
	vm3 =	vgt.s32 v29, v1;
	v16 =	vmov s4;
	s25 =	sadd.s32 $0x60, s21;
	s24 =	sand.u32 $0x7F00, s24;
	v38 =	vld.idx.msk [tilespmem:v9+s13+$0x0], $0xffff;
	v18 =	vpop (erf)  }
0x8f: {  	s0 =	sadd.s32 $0x70, s4;
	vm4 =	vgt.s32 v30, v1;
	s28 =	sadd.s32 $0x50, s21;
	vm6 =	vgt.s32 v16, v1;
	v40 =	vmov s25;
	v25 =	vld [tilespmem:s24+$0x4F70];
	v31 =	vpop (erf)  }
0x90: {  	s26 =	sadd.s32 $0x10, s21;
	v30 =	vmov s28;
	v19 =	vnsel vm1, $0x0, v18;
	v14 =	vmov s0;
	v33 =	vpop (erf);
	v35 =	vld.idx.msk [tilespmem:v10+s13+$0x0], $0xffff  }
0x91: {  	v20 =	vnsel vm2, $0x0, v31;
	v31 =	vmov s26;
	vm0 =	vgt.s32 v14, v1;
	v14 =	vld [tilespmem:s24+$0x4FF0];
	v29 =	vpop (erf)  }
0x92: {  	v21 =	vnsel vm3, $0x0, v33;
	s24 =	sadd.s32 $0x70, s21;
	v33 =	vld.idx.msk [tilespmem:v24+s2+$0x0], $0xffff;
	v24 =	vmov s21;
	v22 =	vnsel vm0, $0x0, v17;
	v16 =	vpop (erf)  }
0x93: {  	s30 =	sadd.s32 $0x30, s21;
	v34 =	vld.idx.msk [tilespmem:v28+s2+$0x0], $0xffff;
	v39 =	vmov s24;
	vm0 =	vgt.s32 v31, v1;
	v18 =	vnsel vm4, $0x0, v29;
	v29 =	vpop (erf)  }
0x94: {  	v36 =	vld.idx.msk [tilespmem:v11+s13+$0x0], $0xffff;
	v38 =	vadd.f32 v38, v37;
	v31 =	vmov s30;
	vm1 =	vgt.s32 v39, v1;
	v28 =	vpop (erf)  }
0x95: {  	s29 =	sadd.s32 $0x40, s21;
	s31 =	sadd.s32 $0x20, s21;
	v37 =	vld.idx.msk [tilespmem:v12+s13+$0x0], $0xffff;
	v17 =	vnsel vm5, $0x0, v16;
	v16 =	vnsel vm6, $0x0, v29;
	v41 =	vnsel vm0, $0x0, v28  }
0x96: {  	s5 =	sadd.s32 $0x80, s23;
	s22 =	simm.s32 $0x8;
	v29 =	vmov s29;
	vm0 =	vgt.s32 v40, v1;
	v28 =	vmov s31;
	[tilespmem:v23+s17+$0x0] =	vst.idx.add.f32.msk $0xffff, v41  }
.LBB2_4:
0x97: {  	s24 =	sadd.s32 $0xFFFFFFA0, s5  }
0x98: {  	s25 =	sadd.s32 $0xFFFFFFB0, s5;
	s31 =	sadd.s32 $0xFFFFFFF0, s5;
	vm4 =	vgt.f32 v38, $0.0e+00;
	v23 =	vmul.f32 $2.000000030e-01, v38;
	v32 =	vadd.f32 v35, v32;
	v27 =	vld.idx.msk [tilespmem:v27+s2+$0x0], $0xffff;
	s26 =	sadd.s32 $0xFFFFFFC0, s5  }
0x99: {  	s22 =	sadd.s32 $0x8, s22;
	vm6 =	vgt.s32 v30, v1;
	vm3 =	vgt.s32 v29, v1;
	vm2 =	vgt.s32 v31, v1;
	s28 =	sadd.s32 $0xFFFFFFD0, s5;
	p0 =	slt.s32 s31, $0x27F0;
	v29 =	vld.idx.msk [tilespmem:v13+s13+$0x0], $0xffff  }
0x9a: {  	s30 =	sadd.s32 $0xFFFFFF90, s5;
	v31 =	vadd.f32 v36, v33;
	s31 =	simm.s32 @!p0 $0x27F0;
	p0 =	slt.u32 s22, $0x270;
	vm7 =	vgt.f32 v32, $0.0e+00;
	v30 =	vmul.f32 $2.000000030e-01, v32;
	v26 =	vld.idx.msk [tilespmem:v26+s2+$0x0], $0xffff  }
0x9b: {  	s29 =	sadd.s32 $0xFFFFFFE0, s5;
	vm5 =	vgt.s32 v28, v1;
	s23 =	smov.u32 s5;
	v23 =	vsel vm4, v38, v23;
	vm4 =	vgt.s32 v24, v1;
	s0 =	sshll.u32 s31, $0x1;
	v33 =	vld.idx.msk [tilespmem:v15+s13+$0x0], $0xffff  }
0x9c: {  	p1 =	slt.s32 s30, $0x27F0;
	s31 =	sand.u32 $0x70, s31;
	vm8 =	vgt.f32 v31, $0.0e+00;
	v24 =	vmul.f32 $2.000000030e-01, v31;
	v28 =	vadd.f32 v37, v34;
	s0 =	sand.u32 $0x7F00, s0;
	v25 =	vld.idx.msk [tilespmem:v25+s2+$0x0], $0xffff  }
0x9d: {  	p6 =	slt.s32 s24, $0x27F0;
	p4 =	slt.s32 s25, $0x27F0;
	v34 =	vmul.f32 $1.442695020e+00, v23;
	v30 =	vsel vm7, v32, v30;
	s0 =	sor.u32 s31, s0;
	v32 =	vld.idx.msk [tilespmem:v14+s13+$0x0], $0xffff  }
0x9e: {  	p5 =	slt.s32 s26, $0x27F0;
	p2 =	slt.s32 s28, $0x27F0;
	p3 =	slt.s32 s29, $0x27F0;
	v24 =	vsel vm8, v31, v24;
	vm7 =	vgt.f32 v28, $0.0e+00;
	v31 =	vmul.f32 $2.000000030e-01, v28;
	v35 =	vld [tilespmem:s0+$0x4F00]  }
0x9f: {  	s30 =	simm.s32 @!p1 $0x27F0;
	s24 =	simm.s32 @!p6 $0x27F0;
	p1 =	slt.s32 s5, $0x27F0;
	v30 =	vmul.f32 $1.442695020e+00, v30;
	v24 =	vmul.f32 $1.442695020e+00, v24;
	v27 =	vadd.f32 v29, v27;
	v23 =	vld [tilespmem:s0+$0x4F80]  }
0xa0: {  	s25 =	simm.s32 @!p4 $0x27F0;
	s26 =	simm.s32 @!p5 $0x27F0;
	s0 =	sshll.u32 s30, $0x1;
	v28 =	vsel vm7, v28, v31;
	(erf) = vpow2.f32 v34;
	[tilespmem:v2+s17+$0x0] =	vst.idx.add.f32.msk $0xffff, v22;
	v2 =	vmov v9  }
0xa1: {  	s28 =	simm.s32 @!p2 $0x27F0;
	s29 =	simm.s32 @!p3 $0x27F0;
	s31 =	sshll.u32 s24, $0x1;
	vm7 =	vgt.f32 v27, $0.0e+00;
	v9 =	vmul.f32 $2.000000030e-01, v27;
	v22 =	vadd.f32 v33, v26;
	[tilespmem:v3+s17+$0x0] =	vst.idx.add.f32.msk $0xffff, v19;
	v3 =	vmovc v10  }
0xa2: {  	s1 =	sshll.u32 s25, $0x1;
	s10 =	sshll.u32 s26, $0x1;
	s18 =	sshll.u32 s28, $0x1;
	v10 =	vmul.f32 $1.442695020e+00, v28;
	(erf) = vpow2.f32 v30;
	[tilespmem:v4+s17+$0x0] =	vst.idx.add.f32.msk $0xffff, v20;
	v4 =	vmov v11  }
0xa3: {  	s3 =	sshll.u32 s29, $0x1;
	s23 =	simm.s32 @!p1 $0x27F0;
	s0 =	sand.u32 $0x7F00, s0;
	vm8 =	vgt.f32 v22, $0.0e+00;
	v11 =	vmul.f32 $2.000000030e-01, v22;
	v19 =	vadd.f32 v32, v25;
	[tilespmem:v5+s17+$0x0] =	vst.idx.add.f32.msk $0xffff, v21;
	v5 =	vmovc v12  }
0xa4: {  	s1 =	sand.u32 $0x7F00, s1;
	s10 =	sand.u32 $0x7F00, s10;
	s31 =	sand.u32 $0x7F00, s31;
	v9 =	vsel vm7, v27, v9;
	(erf) = vpow2.f32 v24;
	[tilespmem:v6+s17+$0x0] =	vst.idx.add.f32.msk $0xffff, v18;
	v6 =	vmov v13  }
0xa5: {  	s18 =	sand.u32 $0x7F00, s18;
	s3 =	sand.u32 $0x7F00, s3;
	s30 =	sand.u32 $0x70, s30;
	v11 =	vsel vm8, v22, v11;
	vm7 =	vgt.f32 v19, $0.0e+00;
	v12 =	vmul.f32 $2.000000030e-01, v19;
	[tilespmem:v7+s17+$0x0] =	vst.idx.add.f32.msk $0xffff, v17;
	v7 =	vmovc v15  }
0xa6: {  	s25 =	sand.u32 $0x70, s25;
	s26 =	sand.u32 $0x70, s26;
	s24 =	sand.u32 $0x70, s24;
	v9 =	vmul.f32 $1.442695020e+00, v9;
	v11 =	vmul.f32 $1.442695020e+00, v11;
	v13 =	vld.idx.msk [tilespmem:v35+s2+$0x0], $0xffff  }
0xa7: {  	s28 =	sand.u32 $0x70, s28;
	s29 =	sand.u32 $0x70, s29;
	s23 =	sshll.u32 s23, $0x1;
	v17 =	vsel vm7, v19, v12;
	v15 =	vld.idx.msk [tilespmem:v23+s13+$0x0], $0xffff;
	(erf) = vpow2.f32 v10  }
0xa8: {  	s1 =	sor.u32 s25, s1;
	s24 =	sor.u32 s24, s31;
	s0 =	sor.u32 s30, s0;
	v10 =	vmul.f32 $1.442695020e+00, v17;
	(erf) = vpow2.f32 v9;
	[tilespmem:v8+s17+$0x0] =	vst.idx.add.f32.msk $0xffff, v16;
	v8 =	vmov v14  }
0xa9: {  	s10 =	sor.u32 s26, s10;
	s18 =	sor.u32 s28, s18;
	s3 =	sor.u32 s29, s3;
	v24 =	vld [tilespmem:s0+$0x4F00];
	v12 =	vpop (erf);
	(erf) = vpow2.f32 v11  }
0xaa: {  	v9 =	vld [tilespmem:s0+$0x4F80];
	s0 =	sand.u32 $0x7F00, s23;
	v22 =	vnsel vm1, $0x0, v12;
	(erf) = vpow2.f32 v10  }
0xab: {  	v28 =	vld [tilespmem:s24+$0x4F00];
	v11 =	vpop (erf)  }
0xac: {  	v10 =	vld [tilespmem:s24+$0x4F80];
	v19 =	vnsel vm0, $0x0, v11  }
0xad: {  	v13 =	vadd.f32 v15, v13;
	v29 =	vld [tilespmem:s1+$0x4F00];
	v12 =	vpop (erf)  }
0xae: {  	v11 =	vld [tilespmem:s1+$0x4F80];
	v20 =	vnsel vm6, $0x0, v12  }
0xaf: {  	v14 =	vmul.f32 $2.000000030e-01, v13;
	v31 =	vld [tilespmem:s10+$0x4F00]  }
0xb0: {  	vm0 =	vgt.f32 v13, $0.0e+00;
	v12 =	vld [tilespmem:s10+$0x4F80];
	v15 =	vpop (erf)  }
0xb1: {  	v14 =	vsel vm0, v13, v14;
	v27 =	vld [tilespmem:s18+$0x4F00];
	v21 =	vnsel vm3, $0x0, v15;
	v15 =	vpop (erf)  }
0xb2: {  	v14 =	vmul.f32 $1.442695020e+00, v14;
	v13 =	vld [tilespmem:s18+$0x4F80];
	v18 =	vnsel vm2, $0x0, v15;
	v15 =	vpop (erf)  }
0xb3: {  	v26 =	vld [tilespmem:s3+$0x4F00];
	v17 =	vnsel vm5, $0x0, v15;
	v16 =	vpop (erf)  }
0xb4: {  	v15 =	vld [tilespmem:s3+$0x4F80];
	(erf) = vpow2.f32 v14;
	v16 =	vnsel vm4, $0x0, v16  }
0xb5: {  	v25 =	vld [tilespmem:s0+$0x4F70]  }
0xb6: {  	v14 =	vld [tilespmem:s0+$0x4FF0]  }
0xb7: {  	v37 =	vld.idx.msk [tilespmem:v24+s2+$0x0], $0xffff  }
0xb8: {  	v38 =	vld.idx.msk [tilespmem:v9+s13+$0x0], $0xffff  }
0xb9: {  	s21 =	sadd.s32 $0xFFFFFF80, s21;
	v32 =	vld.idx.msk [tilespmem:v28+s2+$0x0], $0xffff  }
0xba: {  	s1 =	sadd.s32 $0x60, s21;
	v35 =	vld.idx.msk [tilespmem:v10+s13+$0x0], $0xffff  }
.Ltmp1:
0xbb: {  	s3 =	sadd.s32 $0x10, s21;
	s0 =	sadd.s32 $0x70, s21;
	v24 =	vmov s21;
	v33 =	vld.idx.msk [tilespmem:v29+s2+$0x0], $0xffff;
	(pc) =	sbr.rel @p0 .LBB2_4-.Ltmp1, $4  }
0xbc: {  	v39 =	vmov s1;
	s1 =	sadd.s32 $0x40, s21;
	s10 =	sadd.s32 $0x30, s21;
	v41 =	vmov s3;
	v28 =	vmov s0;
	s0 =	sadd.s32 $0x50, s21;
	v36 =	vld.idx.msk [tilespmem:v11+s13+$0x0], $0xffff  }
0xbd: {  	vm0 =	vgt.s32 v41, v1;
	v30 =	vmov s0;
	s0 =	sadd.s32 $0x20, s21;
	v29 =	vmov s1;
	v34 =	vld.idx.msk [tilespmem:v31+s2+$0x0], $0xffff;
	v40 =	vpop (erf)  }
0xbe: {  	v38 =	vadd.f32 v38, v37;
	v31 =	vmov s10;
	v37 =	vld.idx.msk [tilespmem:v12+s13+$0x0], $0xffff;
	v40 =	vnsel vm0, $0x0, v40  }
0xbf: {  	s5 =	sadd.s32 $0x80, s5;
	vm1 =	vgt.s32 v28, v1;
	v28 =	vmov s0;
	vm0 =	vgt.s32 v39, v1;
	[tilespmem:v23+s17+$0x0] =	vst.idx.add.f32.msk $0xffff, v40  }
0xc0: {  	_ =	sdelay $0x3  }
0xc1: {  	v23 =	vld.idx.msk [tilespmem:v27+s2+$0x0], $0xffff  }
0xc2: {  	v47 =	vld.idx.msk [tilespmem:v13+s13+$0x0], $0xffff  }
0xc3: {  	v26 =	vld.idx.msk [tilespmem:v26+s2+$0x0], $0xffff  }
0xc4: {  	v32 =	vadd.f32 v35, v32;
	v49 =	vld.idx.msk [tilespmem:v15+s13+$0x0], $0xffff;
	v33 =	vadd.f32 v36, v33  }
0xc5: {  	vm2 =	vgt.f32 v38, $0.0e+00;
	v48 =	vmul.f32 $2.000000030e-01, v38;
	v25 =	vld.idx.msk [tilespmem:v25+s2+$0x0], $0xffff  }
0xc6: {  	v51 =	vld.idx.msk [tilespmem:v14+s13+$0x0], $0xffff;
	v39 =	vmul.f32 $2.000000030e-01, v32;
	vm3 =	vgt.f32 v32, $0.0e+00;
	v50 =	vmul.f32 $2.000000030e-01, v33  }
0xc7: {  	v35 =	vsel vm2, v38, v48;
	v34 =	vadd.f32 v37, v34;
	vm6 =	vgt.f32 v33, $0.0e+00  }
0xc8: {  	v35 =	vmul.f32 $1.442695020e+00, v35;
	v32 =	vsel vm3, v32, v39;
	v33 =	vsel vm6, v33, v50  }
0xc9: {  	v52 =	vmul.f32 $2.000000030e-01, v34;
	vm7 =	vgt.f32 v34, $0.0e+00;
	v23 =	vadd.f32 v47, v23  }
0xca: {  	v53 =	vmul.f32 $1.442695020e+00, v32;
	(erf) = vpow2.f32 v35;
	v26 =	vadd.f32 v49, v26  }
0xcb: {  	v25 =	vadd.f32 v51, v25;
	v54 =	vmul.f32 $1.442695020e+00, v33;
	v55 =	vsel vm7, v34, v52  }
0xcc: {  	vm8 =	vgt.f32 v23, $0.0e+00;
	v56 =	vmul.f32 $2.000000030e-01, v23;
	(erf) = vpow2.f32 v53  }
0xcd: {  	vm9 =	vgt.f32 v26, $0.0e+00;
	v57 =	vmul.f32 $2.000000030e-01, v26;
	v58 =	vmul.f32 $2.000000030e-01, v25  }
0xce: {  	vm10 =	vgt.f32 v25, $0.0e+00;
	v33 =	vmul.f32 $1.442695020e+00, v55;
	v23 =	vsel vm8, v23, v56  }
0xcf: {  	(erf) = vpow2.f32 v54;
	v26 =	vsel vm9, v26, v57;
	v23 =	vmul.f32 $1.442695020e+00, v23  }
0xd0: {  	v25 =	vsel vm10, v25, v58;
	v26 =	vmul.f32 $1.442695020e+00, v26;
	(erf) = vpow2.f32 v33  }
0xd1: {  	[tilespmem:v2+s17+$0x0] =	vst.idx.add.f32.msk $0xffff, v22;
	v2 =	vmul.f32 $1.442695020e+00, v25;
	(erf) = vpow2.f32 v23  }
0xd2: {  	[tilespmem:v3+s17+$0x0] =	vst.idx.add.f32.msk $0xffff, v19;
	(erf) = vpow2.f32 v26  }
0xd3: {  	[tilespmem:v4+s17+$0x0] =	vst.idx.add.f32.msk $0xffff, v20;
	(erf) = vpow2.f32 v2  }
0xd4: {  	[tilespmem:v5+s17+$0x0] =	vst.idx.add.f32.msk $0xffff, v21  }
0xd5: {  	[tilespmem:v6+s17+$0x0] =	vst.idx.add.f32.msk $0xffff, v18  }
0xd6: {  	[tilespmem:v7+s17+$0x0] =	vst.idx.add.f32.msk $0xffff, v17;
	v2 =	vpop (erf)  }
0xd7: {  	[tilespmem:v8+s17+$0x0] =	vst.idx.add.f32.msk $0xffff, v16;
	v2 =	vnsel vm1, $0x0, v2;
	v3 =	vpop (erf)  }
0xd8: {  	vm11 =	vgt.s32 v30, v1;
	[tilespmem:v9+s17+$0x0] =	vst.idx.add.f32.msk $0xffff, v2;
	v3 =	vnsel vm0, $0x0, v3;
	v59 =	vpop (erf)  }
0xd9: {  	vm12 =	vgt.s32 v29, v1;
	v2 =	vnsel vm11, $0x0, v59;
	[tilespmem:v10+s17+$0x0] =	vst.idx.add.f32.msk $0xffff, v3;
	v60 =	vpop (erf)  }
0xda: {  	vm13 =	vgt.s32 v31, v1;
	[tilespmem:v11+s17+$0x0] =	vst.idx.add.f32.msk $0xffff, v2;
	v3 =	vnsel vm12, $0x0, v60;
	v61 =	vpop (erf)  }
0xdb: {  	vm14 =	vgt.s32 v28, v1;
	[tilespmem:v12+s17+$0x0] =	vst.idx.add.f32.msk $0xffff, v3;
	v2 =	vnsel vm13, $0x0, v61;
	v62 =	vpop (erf)  }
0xdc: {  	vm15 =	vgt.s32 v24, v1;
	s20 =	sadd.s32 $0x1, s20;
	v3 =	vnsel vm14, $0x0, v62;
	v63 =	vpop (erf);
	[tilespmem:v13+s17+$0x0] =	vst.idx.add.f32.msk $0xffff, v2  }
0xdd: {  	p0 =	sne.s32 s20, s8;
	v2 =	vnsel vm15, $0x0, v63;
	[tilespmem:v15+s17+$0x0] =	vst.idx.add.f32.msk $0xffff, v3  }
.Ltmp2:
0xde: {  	s0 =	simm.s32 $0x400;
	[tilespmem:v14+s17+$0x0] =	vst.idx.add.f32.msk $0xffff, v2;
	(pc) =	sbr.rel @p0 .LBB2_1-.Ltmp2, $4  }
0xdf: {  	[hbm4b:s7+s11] =	stream.strided.scatter [tilespmem:s17], [sflag:$0x4], $0x2780, s0, s11, $0x38;
	[tilespmem:$0xC680] =	vst v63  }
0xe0: {  	_ =	swait.ge [sflag:s19], $0x2780  }
0xe1: {  	[sflag:s19] =	ssyncset.done $0x0  }
0xe2: {  	[sflag:s19] =	ssyncadd.s32 $0xFFFFD880  }
0xe3: {  	_ =	sfence.sel $0x180000  }
0xe4: {  	[bflag:$0x0] =	sbarrier.arrive $0xFFFF  }
0xe5: {  	_ =	strace $0x90000047  }
0xe6: {  	s0 =	stileid.u32;
	[bflag:$0x2] =	sbarrier.arrive $0xFFFF  }
0xe7: {  	p0 =	sne.s32 s0, $0x0;
	s0 =	rddreg [dreg:$0x3]  }
0xe8: {  	s0 =	sadd.s32 @!p0 $0x100000, s0  }
0xe9: {  	[sflag:s0] =	ssyncadd.tile.s32 @!p0 $0x1;
	_ =	shalt  }
.Lfunc_end2:
_tile_overlayer_lowered:
.L_overlay_start_2:
0xea: {  	(tag) =	ssettag $0x2  }
0xeb: {  	s0 =	rddreg [dreg:$0x0];
	s2 =	stileid.u32  }
0xec: {  	s1 =	rddreg [dreg:$0x1];
	p0 =	sne.s32 s2, $0x0  }
0xed: {  	s3 =	rddreg [dreg:$0x2];
	[bflag:$0x3] =	sbarrier.arrive $0xFFFF;
	s2 =	simm.s32 @!p0 $0x1C04  }
0xee: {  	[timem:s3], [sflag:s2] =	dma.local @!p0 [hbm:s0], s1  }
0xef: {  	s0 =	simm.s32 @!p0 $0x4  }
0xf0: {  	_ =	swait.ge @!p0 [sflag:s0], s1  }
0xf1: {  	s1 =	ssub.s32 @!p0 $0x0, s1;
	[sflag:s0] =	ssyncset.done @!p0 $0x0  }
0xf2: {  	[sflag:s0] =	ssyncadd.s32 @!p0 s1  }
0xf3: {  	[bflag:$0x3] =	sbarrier.arrive $0xFFFF  }
0xf4: {  	_ =	shalt  }

</sc_bundles>
